<compile_context>
chip_gen: v7x
topology: tpu7x:2x2x1
jax: 0.10.2.dev20260603
libtpu: 0.0.44.dev20260713+nightly
codegen_flags: <defaults>
</compile_context>

<pallas_src>
import functools

import jax
import jax.numpy as jnp
from jax import lax
from jax.experimental import pallas as pl
from jax.experimental.pallas import tpu as pltpu
from jax.experimental.pallas import tpu_sc as plsc

N = 1_000_000
M = 500_000
NC = 2
NS = 16
NW = NC * NS
NPAIR = NW // 2
PAIR_ROWS = N // NPAIR
SPLIT = 32_768
HI_ROWS = PAIR_ROWS - SPLIT
LOCAL_PAD = 62_528
GIVE_HI = LOCAL_PAD - SPLIT
CHUNK = 10_000
NCHALF = (M // 2) // CHUNK
VPC = CHUNK // 16
L = 16
STG = 31_248
STG_TAIL = M - NS * STG
MRG_A = 8_192
MRG_B = 4_960

_mesh = plsc.VectorSubcoreMesh(core_axis_name="c", subcore_axis_name="s")


@functools.partial(
    pl.kernel,
    mesh=_mesh,
    out_type=jax.ShapeDtypeStruct((NPAIR, PAIR_ROWS), jnp.int32),
    scratch_types=[
        pltpu.VMEM((CHUNK,), jnp.int32),
        pltpu.VMEM((CHUNK,), jnp.int32),
        pltpu.VMEM((LOCAL_PAD,), jnp.int32),
        pltpu.VMEM_SHARED((NS * SPLIT,), jnp.int32),
        pltpu.SemaphoreType.DMA,
        pltpu.SemaphoreType.DMA,
    ],
    compiler_params=pltpu.CompilerParams(
        needs_layout_passes=False, use_tc_tiling_on_sc=False),
)
def _scatter_arange(idx_hbm, out_hbm, buf_a, buf_b, local, shared,
                    sem_a, sem_b):
    mrg = shared
    sid = lax.axis_index("s")
    wid = lax.axis_index("c") * NS + sid
    half = wid % 2
    prow = wid // 2
    pbase = (prow * PAIR_ROWS).astype(jnp.int32)
    ibase = half * (M // 2)
    iota = lax.iota(jnp.int32, L)
    zeros = jnp.zeros((L,), jnp.int32)
    limit = jnp.uint32(PAIR_ROWS)

    pltpu.async_copy(idx_hbm.at[pl.ds(sid * STG, STG)],
                     shared.at[pl.ds(sid * STG, STG)], sem_a)

    @pl.when(sid == 0)
    def _tail():
        pltpu.async_copy(idx_hbm.at[pl.ds(NS * STG, STG_TAIL)],
                         shared.at[pl.ds(NS * STG, STG_TAIL)], sem_b)

    @plsc.parallel_loop(0, LOCAL_PAD // L, 1, unroll=4)
    def _zero_body(j):
        local[pl.ds(j * L, L)] = zeros

    pltpu.make_async_copy(idx_hbm.at[pl.ds(0, STG)],
                          shared.at[pl.ds(0, STG)], sem_a).wait()

    @pl.when(sid == 0)
    def _tail_wait():
        pltpu.make_async_copy(idx_hbm.at[pl.ds(0, STG_TAIL)],
                              shared.at[pl.ds(0, STG_TAIL)], sem_b).wait()

    plsc.subcore_barrier()

    def _process(buf, chunk_base):
        @plsc.parallel_loop(0, VPC, 1, unroll=25)
        def _vec_body(v):
            ivec = buf[pl.ds(v * L, L)]
            val = (chunk_base + v * L) + iota
            loc = ivec - pbase
            m = plsc.bitcast(loc, jnp.uint32) < limit
            plsc.store_scatter(local, [loc], val, mask=m)

    pltpu.async_copy(shared.at[pl.ds(ibase, CHUNK)], buf_a, sem_a)

    def _pair_body(c, _):
        c0 = 2 * c
        pltpu.make_async_copy(shared.at[pl.ds(0, CHUNK)], buf_a, sem_a).wait()
        pltpu.async_copy(
            shared.at[pl.ds(ibase + (c0 + 1) * CHUNK, CHUNK)], buf_b, sem_b)
        _process(buf_a, (ibase + c0 * CHUNK).astype(jnp.int32))
        pltpu.make_async_copy(shared.at[pl.ds(0, CHUNK)], buf_b, sem_b).wait()
        pltpu.async_copy(
            shared.at[pl.ds(ibase + (c0 + 2) * CHUNK, CHUNK)], buf_a, sem_a)
        _process(buf_b, (ibase + (c0 + 1) * CHUNK).astype(jnp.int32))
        return 0

    lax.fori_loop(0, NCHALF // 2, _pair_body, 0)
    pltpu.make_async_copy(shared.at[pl.ds(0, CHUNK)], buf_a, sem_a).wait()
    _process(buf_a, (ibase + (NCHALF - 1) * CHUNK).astype(jnp.int32))

    plsc.subcore_barrier()

    @pl.when(half == 0)
    def _give_hi():
        pltpu.sync_copy(local.at[pl.ds(SPLIT, GIVE_HI)],
                        mrg.at[pl.ds(sid * SPLIT, GIVE_HI)])

    @pl.when(half == 1)
    def _give_lo():
        pltpu.sync_copy(local.at[pl.ds(0, SPLIT)],
                        mrg.at[pl.ds(sid * SPLIT, SPLIT)])

    plsc.subcore_barrier()

    def _merge(src_base, dst_base, mchunk, nchunk, unroll):
        bufs = (buf_a, buf_b)
        sems = (sem_a, sem_b)
        pltpu.async_copy(mrg.at[pl.ds(src_base, mchunk)],
                         bufs[0].at[pl.ds(0, mchunk)], sems[0])
        for k in range(nchunk):
            b, s = bufs[k % 2], sems[k % 2]
            pltpu.make_async_copy(mrg.at[pl.ds(0, mchunk)],
                                  b.at[pl.ds(0, mchunk)], s).wait()
            if k + 1 < nchunk:
                nb, ns_ = bufs[(k + 1) % 2], sems[(k + 1) % 2]
                pltpu.async_copy(
                    mrg.at[pl.ds(src_base + (k + 1) * mchunk, mchunk)],
                    nb.at[pl.ds(0, mchunk)], ns_)

            @plsc.parallel_loop(0, mchunk // L, 1, unroll=unroll)
            def _mx(j):
                o = dst_base + k * mchunk + j * L
                local[pl.ds(o, L)] = jnp.maximum(
                    local[pl.ds(o, L)], b[pl.ds(j * L, L)])

    @pl.when(half == 0)
    def _merge_lo():
        _merge((sid + 1) * SPLIT, 0, MRG_A, SPLIT // MRG_A, 8)
        pltpu.sync_copy(local.at[pl.ds(0, SPLIT)],
                        out_hbm.at[prow, pl.ds(0, SPLIT)])

    @pl.when(half == 1)
    def _merge_hi():
        _merge((sid - 1) * SPLIT, SPLIT, MRG_B, GIVE_HI // MRG_B, 5)
        pltpu.sync_copy(local.at[pl.ds(SPLIT, HI_ROWS)],
                        out_hbm.at[prow, pl.ds(SPLIT, HI_ROWS)])


def kernel(X, row_missing_idx):
    del X
    return _scatter_arange(row_missing_idx).reshape(-1)

# --- scband reference (transcript-rebuilt; emitter-appended) ---
"""Pipeline reference for scband-make-dict-idx-map-25443386261853 (READ-ONLY COPY).

The authoritative reference and input builder live on the scoring server;
editing this copy changes nothing except your own understanding.
"""

import jax, jax.numpy as jnp
import numpy as np


def setup_inputs(seed: int = 0) -> dict:
    key = jax.random.key(seed)
    k1, k2 = jax.random.split(key)
    X = jax.random.normal(k1, (1000000, 16), dtype=jnp.float32)
    row_missing_idx = jax.random.randint(k2, (500000,), 0, 1000000, dtype=jnp.int32)
    return {"X": X, "row_missing_idx": row_missing_idx}


def reference(X, row_missing_idx):
    # torch: dist_idx_map = torch.zeros(X.shape[0], dtype=int)
    #        dist_idx_map[row_missing_idx] = torch.arange(row_missing_idx.shape[0])
    N = X.shape[0]
    M = row_missing_idx.shape[0]
    dist_idx_map = jnp.zeros((N,), dtype=jnp.int32)
    dist_idx_map = dist_idx_map.at[row_missing_idx].set(jnp.arange(M, dtype=jnp.int32))
    return dist_idx_map

if __name__ == "__main__":
    import jax
    _d = setup_inputs()
    print(jax.jit(kernel)(*tuple(_d.values())))

</pallas_src>

<mosaic_0001>
#map = affine_map<(d0, d1) -> (0)>
#map1 = affine_map<(d0, d1) -> (0, 0)>
module attributes {stable_mosaic.version = 14 : i64} {
  func.func @_scatter_arange(%arg0: i32, %arg1: i32, %arg2: memref<500000xi32, #tpu.memory_space<hbm>>, %arg3: memref<16x62500xi32, #tpu.memory_space<hbm>>, %arg4: memref<10000xi32, #tpu.memory_space<vmem>>, %arg5: memref<10000xi32, #tpu.memory_space<vmem>>, %arg6: memref<62528xi32, #tpu.memory_space<vmem>>, %arg7: memref<524288xi32, #tpu.memory_space<vmem_shared>>, %arg8: memref<!tpu.dma_semaphore, #tpu.memory_space<semaphore_mem>>, %arg9: memref<!tpu.dma_semaphore, #tpu.memory_space<semaphore_mem>>) attributes {dimension_semantics = [#tpu.dimension_semantics<core_parallel>, #tpu.dimension_semantics<subcore_parallel>], iteration_bounds = array<i64: 2, 16>, scalar_prefetch = 0 : i64, scratch_operands = 6 : i64, tpu.core_type = #tpu.core_type<sc_vector_subcore>, window_params = [{transform_indices = #map}, {transform_indices = #map1}]} {
    %mul3A = arith.constant 16 : i32
    %mul3A_0 = arith.muli %arg0, %mul3A : i32
    %add3A = arith.addi %mul3A_0, %arg1 : i32
    %jit3A = arith.constant 2 : i32
    %eq3A = arith.constant 0 : i32
    %eq3A_1 = arith.cmpi eq, %jit3A, %eq3A : i32
    %jit3A_2 = arith.constant 1 : i32
    %select_n3A = arith.select %eq3A_1, %jit3A_2, %jit3A : i32
    %rem3A = arith.remsi %add3A, %select_n3A : i32
    %ne3A = arith.constant 0 : i32
    %ne3A_3 = arith.cmpi ne, %rem3A, %ne3A : i32
    %lt3A = arith.constant 0 : i32
    %lt3A_4 = arith.cmpi slt, %rem3A, %lt3A : i32
    %lt3A_5 = arith.constant 0 : i32
    %lt3A_6 = arith.cmpi slt, %select_n3A, %lt3A_5 : i32
    %ne3A_7 = arith.xori %lt3A_4, %lt3A_6 : i1
    %and3A = arith.andi %ne3A_7, %ne3A_3 : i1
    %add3A_8 = arith.addi %rem3A, %select_n3A : i32
    %select_n3A_9 = arith.select %and3A, %add3A_8, %rem3A : i32
    %jit3A_10 = arith.constant 2 : i32
    %div3A = arith.divsi %add3A, %jit3A_10 : i32
    %sign3A = arith.constant 0 : i32
    %sign3A_11 = arith.cmpi sgt, %add3A, %sign3A : i32
    %sign3A_12 = arith.extui %sign3A_11 : i1 to i32
    %sign3A_13 = arith.constant 0 : i32
    %sign3A_14 = arith.cmpi slt, %add3A, %sign3A_13 : i32
    %sign3A_15 = arith.extui %sign3A_14 : i1 to i32
    %sign3A_16 = arith.subi %sign3A_12, %sign3A_15 : i32
    %sign3A_17 = arith.constant 0 : i32
    %sign3A_18 = arith.cmpi sgt, %jit3A_10, %sign3A_17 : i32
    %sign3A_19 = arith.extui %sign3A_18 : i1 to i32
    %sign3A_20 = arith.constant 0 : i32
    %sign3A_21 = arith.cmpi slt, %jit3A_10, %sign3A_20 : i32
    %sign3A_22 = arith.extui %sign3A_21 : i1 to i32
    %sign3A_23 = arith.subi %sign3A_19, %sign3A_22 : i32
    %ne3A_24 = arith.cmpi ne, %sign3A_16, %sign3A_23 : i32
    %rem3A_25 = arith.remsi %add3A, %jit3A_10 : i32
    %ne3A_26 = arith.constant 0 : i32
    %ne3A_27 = arith.cmpi ne, %rem3A_25, %ne3A_26 : i32
    %and3A_28 = arith.andi %ne3A_24, %ne3A_27 : i1
    %sub3A = arith.constant 1 : i32
    %sub3A_29 = arith.subi %div3A, %sub3A : i32
    %select_n3A_30 = arith.select %and3A_28, %sub3A_29, %div3A : i32
    %mul3A_31 = arith.constant 62500 : i32
    %mul3A_32 = arith.muli %select_n3A_30, %mul3A_31 : i32
    %mul3A_33 = arith.constant 250000 : i32
    %mul3A_34 = arith.muli %select_n3A_9, %mul3A_33 : i32
    %iota3A = tpu.iota {dimensions = array<i32: 0>} : vector<16xi32>
    %broadcast_in_dim3A = arith.constant 0 : i32
    %broadcast_in_dim3A_35 = vector.broadcast %broadcast_in_dim3A : i32 to vector<16xi32>
    %mul3A_36 = arith.constant 31248 : i32
    %mul3A_37 = arith.muli %arg1, %mul3A_36 : i32
    %mul3A_38 = arith.constant 31248 : i32
    %mul3A_39 = arith.muli %arg1, %mul3A_38 : i32
    %dma_start3A = tpu.memref_slice %arg7[%mul3A_39] : memref<524288xi32, #tpu.memory_space<vmem_shared>> -> memref<31248xi32, #tpu.memory_space<vmem_shared>>
    %dma_start3A_40 = tpu.memref_slice %arg2[%mul3A_37] : memref<500000xi32, #tpu.memory_space<hbm>> -> memref<31248xi32, #tpu.memory_space<hbm>>
    tpu.enqueue_dma source(%dma_start3A_40 : memref<31248xi32, #tpu.memory_space<hbm>>) target(%dma_start3A : memref<31248xi32, #tpu.memory_space<vmem_shared>>) target_semaphore(%arg8 : memref<!tpu.dma_semaphore, #tpu.memory_space<semaphore_mem>>)
    %eq3A_41 = arith.constant 0 : i32
    %eq3A_42 = arith.cmpi eq, %arg1, %eq3A_41 : i32
    %convert_element_type3A = arith.extui %eq3A_42 : i1 to i32
    %cond3A = arith.constant 0 : i32
    %cond3A_43 = arith.cmpi ne, %convert_element_type3A, %cond3A : i32
    scf.if %cond3A_43 {
      %dma_start3A_95 = arith.constant 499968 : i32
      %dma_start3A_96 = tpu.memref_slice %arg7[%dma_start3A_95] : memref<524288xi32, #tpu.memory_space<vmem_shared>> -> memref<32xi32, #tpu.memory_space<vmem_shared>>
      %dma_start3A_97 = arith.constant 499968 : i32
      %dma_start3A_98 = tpu.memref_slice %arg2[%dma_start3A_97] : memref<500000xi32, #tpu.memory_space<hbm>> -> memref<32xi32, #tpu.memory_space<hbm>>
      tpu.enqueue_dma source(%dma_start3A_98 : memref<32xi32, #tpu.memory_space<hbm>>) target(%dma_start3A_96 : memref<32xi32, #tpu.memory_space<vmem_shared>>) target_semaphore(%arg9 : memref<!tpu.dma_semaphore, #tpu.memory_space<semaphore_mem>>)
    } else {
    }
    %parallel_loop3A = arith.constant 0 : i32
    %parallel_loop3A_44 = arith.constant 3908 : i32
    %parallel_loop3A_45 = arith.constant 1 : i32
    scf.for %parallel_loop3A_95 = %parallel_loop3A to %parallel_loop3A_44 step %parallel_loop3A_45  : i32 {
      %parallel_loop3A_96 = arith.constant 16 : i32
      %parallel_loop3A_97 = arith.muli %parallel_loop3A_95, %parallel_loop3A_96 : i32
      %parallel_loop3A_98 = arith.index_cast %parallel_loop3A_97 : i32 to index
      %parallel_loop3A_99 = tpu.vector_load %arg6[%parallel_loop3A_98] {strides = array<i32>} : memref<62528xi32, #tpu.memory_space<vmem>>, vector<16xi32>,
      tpu.vector_store %arg6[%parallel_loop3A_98], %broadcast_in_dim3A_35 {strides = array<i32>} : memref<62528xi32, #tpu.memory_space<vmem>>, vector<16xi32>,
    } {sc.loop_unroll_factor = 4 : i64, sc.parallel_access}
    %dma_wait3A = arith.constant 0 : i32
    %dma_wait3A_46 = tpu.memref_slice %arg7[%dma_wait3A] : memref<524288xi32, #tpu.memory_space<vmem_shared>> -> memref<31248xi32, #tpu.memory_space<vmem_shared>>
    %dma_wait3A_47 = arith.constant 0 : i32
    %dma_wait3A_48 = tpu.memref_slice %arg2[%dma_wait3A_47] : memref<500000xi32, #tpu.memory_space<hbm>> -> memref<31248xi32, #tpu.memory_space<hbm>>
    tpu.wait_dma2 semaphore(%arg8 : memref<!tpu.dma_semaphore, #tpu.memory_space<semaphore_mem>>) src(%dma_wait3A_48 : memref<31248xi32, #tpu.memory_space<hbm>>) dst(%dma_wait3A_46 : memref<31248xi32, #tpu.memory_space<vmem_shared>>)
    %eq3A_49 = arith.constant 0 : i32
    %eq3A_50 = arith.cmpi eq, %arg1, %eq3A_49 : i32
    %convert_element_type3A_51 = arith.extui %eq3A_50 : i1 to i32
    %cond3A_52 = arith.constant 0 : i32
    %cond3A_53 = arith.cmpi ne, %convert_element_type3A_51, %cond3A_52 : i32
    scf.if %cond3A_53 {
      %dma_wait3A_95 = arith.constant 0 : i32
      %dma_wait3A_96 = tpu.memref_slice %arg7[%dma_wait3A_95] : memref<524288xi32, #tpu.memory_space<vmem_shared>> -> memref<32xi32, #tpu.memory_space<vmem_shared>>
      %dma_wait3A_97 = arith.constant 0 : i32
      %dma_wait3A_98 = tpu.memref_slice %arg2[%dma_wait3A_97] : memref<500000xi32, #tpu.memory_space<hbm>> -> memref<32xi32, #tpu.memory_space<hbm>>
      tpu.wait_dma2 semaphore(%arg9 : memref<!tpu.dma_semaphore, #tpu.memory_space<semaphore_mem>>) src(%dma_wait3A_98 : memref<32xi32, #tpu.memory_space<hbm>>) dst(%dma_wait3A_96 : memref<32xi32, #tpu.memory_space<vmem_shared>>)
    } else {
    }
    %barrier3A = arith.constant 0 : index
    tpu.barrier barrier_id(%barrier3A)
    %dma_start3A_54 = tpu.memref_slice %arg7[%mul3A_34] : memref<524288xi32, #tpu.memory_space<vmem_shared>> -> memref<10000xi32, #tpu.memory_space<vmem_shared>>
    %dma_start3A_55 = tpu.memref_slice %arg7[%mul3A_34] : memref<524288xi32, #tpu.memory_space<vmem_shared>> -> memref<10000xi32, #tpu.memory_space<vmem_shared>>
    tpu.enqueue_dma source(%dma_start3A_55 : memref<10000xi32, #tpu.memory_space<vmem_shared>>) target(%arg4 : memref<10000xi32, #tpu.memory_space<vmem>>) target_semaphore(%arg8 : memref<!tpu.dma_semaphore, #tpu.memory_space<semaphore_mem>>)
    %scan3A = arith.constant 62500 : i32
    %scan3A_56 = arith.constant 0 : i32
    %scan3A_57 = arith.constant 0 : i32
    %scan3A_58 = arith.constant 12 : i32
    %scan3A_59 = arith.addi %scan3A_57, %scan3A_58 : i32
    %scan3A_60 = arith.constant 1 : i32
    %scan3A_61 = scf.for %scan3A_95 = %scan3A_57 to %scan3A_59 step %scan3A_60 iter_args(%scan3A_96 = %scan3A_56) -> (i32)  : i32 {
      %mul3A_97 = arith.constant 2 : i32
      %mul3A_98 = arith.muli %mul3A_97, %scan3A_95 : i32
      %dma_wait3A_99 = arith.constant 0 : i32
      %dma_wait3A_100 = tpu.memref_slice %arg7[%dma_wait3A_99] : memref<524288xi32, #tpu.memory_space<vmem_shared>> -> memref<10000xi32, #tpu.memory_space<vmem_shared>>
      %dma_wait3A_101 = arith.constant 0 : i32
      %dma_wait3A_102 = tpu.memref_slice %arg7[%dma_wait3A_101] : memref<524288xi32, #tpu.memory_space<vmem_shared>> -> memref<10000xi32, #tpu.memory_space<vmem_shared>>
      tpu.wait_dma2 semaphore(%arg8 : memref<!tpu.dma_semaphore, #tpu.memory_space<semaphore_mem>>) src(%dma_wait3A_102 : memref<10000xi32, #tpu.memory_space<vmem_shared>>) dst(%arg4 : memref<10000xi32, #tpu.memory_space<vmem>>)
      %add3A_103 = arith.constant 1 : i32
      %add3A_104 = arith.addi %mul3A_98, %add3A_103 : i32
      %mul3A_105 = arith.constant 10000 : i32
      %mul3A_106 = arith.muli %add3A_104, %mul3A_105 : i32
      %add3A_107 = arith.addi %mul3A_34, %mul3A_106 : i32
      %dma_start3A_108 = tpu.memref_slice %arg7[%add3A_107] : memref<524288xi32, #tpu.memory_space<vmem_shared>> -> memref<10000xi32, #tpu.memory_space<vmem_shared>>
      %dma_start3A_109 = tpu.memref_slice %arg7[%add3A_107] : memref<524288xi32, #tpu.memory_space<vmem_shared>> -> memref<10000xi32, #tpu.memory_space<vmem_shared>>
      tpu.enqueue_dma source(%dma_start3A_109 : memref<10000xi32, #tpu.memory_space<vmem_shared>>) target(%arg5 : memref<10000xi32, #tpu.memory_space<vmem>>) target_semaphore(%arg9 : memref<!tpu.dma_semaphore, #tpu.memory_space<semaphore_mem>>)
      %mul3A_110 = arith.constant 10000 : i32
      %mul3A_111 = arith.muli %mul3A_98, %mul3A_110 : i32
      %add3A_112 = arith.addi %mul3A_34, %mul3A_111 : i32
      %parallel_loop3A_113 = arith.constant 0 : i32
      %parallel_loop3A_114 = arith.constant 625 : i32
      %parallel_loop3A_115 = arith.constant 1 : i32
      scf.for %parallel_loop3A_136 = %parallel_loop3A_113 to %parallel_loop3A_114 step %parallel_loop3A_115  : i32 {
        %parallel_loop3A_137 = arith.constant 16 : i32
        %parallel_loop3A_138 = arith.muli %parallel_loop3A_136, %parallel_loop3A_137 : i32
        %parallel_loop3A_139 = arith.index_cast %parallel_loop3A_138 : i32 to index
        %parallel_loop3A_140 = tpu.vector_load %arg4[%parallel_loop3A_139] {strides = array<i32>} : memref<10000xi32, #tpu.memory_space<vmem>>, vector<16xi32>,
        %parallel_loop3A_141 = arith.constant 16 : i32
        %parallel_loop3A_142 = arith.muli %parallel_loop3A_136, %parallel_loop3A_141 : i32
        %parallel_loop3A_143 = arith.addi %add3A_112, %parallel_loop3A_142 : i32
        %parallel_loop3A_144 = vector.broadcast %parallel_loop3A_143 : i32 to vector<16xi32>
        %parallel_loop3A_145 = arith.addi %parallel_loop3A_144, %iota3A : vector<16xi32>
        %parallel_loop3A_146 = vector.broadcast %mul3A_32 : i32 to vector<16xi32>
        %parallel_loop3A_147 = arith.subi %parallel_loop3A_140, %parallel_loop3A_146 : vector<16xi32>
        %parallel_loop3A_148 = vector.bitcast %parallel_loop3A_147 : vector<16xi32> to vector<16xi32>
        %parallel_loop3A_149 = vector.broadcast %scan3A : i32 to vector<16xi32>
        %parallel_loop3A_150 = arith.cmpi ult, %parallel_loop3A_148, %parallel_loop3A_149 : vector<16xi32>
        tpu.vector_store_idx %arg6[%parallel_loop3A_147], %parallel_loop3A_145 masked %parallel_loop3A_150 : memref<62528xi32, #tpu.memory_space<vmem>>[vector<16xi32>], vector<16xi32>, vector<16xi1>
      } {sc.loop_unroll_factor = 25 : i64, sc.parallel_access}
      %dma_wait3A_116 = arith.constant 0 : i32
      %dma_wait3A_117 = tpu.memref_slice %arg7[%dma_wait3A_116] : memref<524288xi32, #tpu.memory_space<vmem_shared>> -> memref<10000xi32, #tpu.memory_space<vmem_shared>>
      %dma_wait3A_118 = arith.constant 0 : i32
      %dma_wait3A_119 = tpu.memref_slice %arg7[%dma_wait3A_118] : memref<524288xi32, #tpu.memory_space<vmem_shared>> -> memref<10000xi32, #tpu.memory_space<vmem_shared>>
      tpu.wait_dma2 semaphore(%arg9 : memref<!tpu.dma_semaphore, #tpu.memory_space<semaphore_mem>>) src(%dma_wait3A_119 : memref<10000xi32, #tpu.memory_space<vmem_shared>>) dst(%arg5 : memref<10000xi32, #tpu.memory_space<vmem>>)
      %add3A_120 = arith.constant 2 : i32
      %add3A_121 = arith.addi %mul3A_98, %add3A_120 : i32
      %mul3A_122 = arith.constant 10000 : i32
      %mul3A_123 = arith.muli %add3A_121, %mul3A_122 : i32
      %add3A_124 = arith.addi %mul3A_34, %mul3A_123 : i32
      %dma_start3A_125 = tpu.memref_slice %arg7[%add3A_124] : memref<524288xi32, #tpu.memory_space<vmem_shared>> -> memref<10000xi32, #tpu.memory_space<vmem_shared>>
      %dma_start3A_126 = tpu.memref_slice %arg7[%add3A_124] : memref<524288xi32, #tpu.memory_space<vmem_shared>> -> memref<10000xi32, #tpu.memory_space<vmem_shared>>
      tpu.enqueue_dma source(%dma_start3A_126 : memref<10000xi32, #tpu.memory_space<vmem_shared>>) target(%arg4 : memref<10000xi32, #tpu.memory_space<vmem>>) target_semaphore(%arg8 : memref<!tpu.dma_semaphore, #tpu.memory_space<semaphore_mem>>)
      %add3A_127 = arith.constant 1 : i32
      %add3A_128 = arith.addi %mul3A_98, %add3A_127 : i32
      %mul3A_129 = arith.constant 10000 : i32
      %mul3A_130 = arith.muli %add3A_128, %mul3A_129 : i32
      %add3A_131 = arith.addi %mul3A_34, %mul3A_130 : i32
      %parallel_loop3A_132 = arith.constant 0 : i32
      %parallel_loop3A_133 = arith.constant 625 : i32
      %parallel_loop3A_134 = arith.constant 1 : i32
      scf.for %parallel_loop3A_136 = %parallel_loop3A_132 to %parallel_loop3A_133 step %parallel_loop3A_134  : i32 {
        %parallel_loop3A_137 = arith.constant 16 : i32
        %parallel_loop3A_138 = arith.muli %parallel_loop3A_136, %parallel_loop3A_137 : i32
        %parallel_loop3A_139 = arith.index_cast %parallel_loop3A_138 : i32 to index
        %parallel_loop3A_140 = tpu.vector_load %arg5[%parallel_loop3A_139] {strides = array<i32>} : memref<10000xi32, #tpu.memory_space<vmem>>, vector<16xi32>,
        %parallel_loop3A_141 = arith.constant 16 : i32
        %parallel_loop3A_142 = arith.muli %parallel_loop3A_136, %parallel_loop3A_141 : i32
        %parallel_loop3A_143 = arith.addi %add3A_131, %parallel_loop3A_142 : i32
        %parallel_loop3A_144 = vector.broadcast %parallel_loop3A_143 : i32 to vector<16xi32>
        %parallel_loop3A_145 = arith.addi %parallel_loop3A_144, %iota3A : vector<16xi32>
        %parallel_loop3A_146 = vector.broadcast %mul3A_32 : i32 to vector<16xi32>
        %parallel_loop3A_147 = arith.subi %parallel_loop3A_140, %parallel_loop3A_146 : vector<16xi32>
        %parallel_loop3A_148 = vector.bitcast %parallel_loop3A_147 : vector<16xi32> to vector<16xi32>
        %parallel_loop3A_149 = vector.broadcast %scan3A : i32 to vector<16xi32>
        %parallel_loop3A_150 = arith.cmpi ult, %parallel_loop3A_148, %parallel_loop3A_149 : vector<16xi32>
        tpu.vector_store_idx %arg6[%parallel_loop3A_147], %parallel_loop3A_145 masked %parallel_loop3A_150 : memref<62528xi32, #tpu.memory_space<vmem>>[vector<16xi32>], vector<16xi32>, vector<16xi1>
      } {sc.loop_unroll_factor = 25 : i64, sc.parallel_access}
      %scan3A_135 = arith.constant 0 : i32
      scf.yield %scan3A_135 : i32
    }
    %scan3A_62 = arith.constant 12 : i32
    %dma_wait3A_63 = arith.constant 0 : i32
    %dma_wait3A_64 = tpu.memref_slice %arg7[%dma_wait3A_63] : memref<524288xi32, #tpu.memory_space<vmem_shared>> -> memref<10000xi32, #tpu.memory_space<vmem_shared>>
    %dma_wait3A_65 = arith.constant 0 : i32
    %dma_wait3A_66 = tpu.memref_slice %arg7[%dma_wait3A_65] : memref<524288xi32, #tpu.memory_space<vmem_shared>> -> memref<10000xi32, #tpu.memory_space<vmem_shared>>
    tpu.wait_dma2 semaphore(%arg8 : memref<!tpu.dma_semaphore, #tpu.memory_space<semaphore_mem>>) src(%dma_wait3A_66 : memref<10000xi32, #tpu.memory_space<vmem_shared>>) dst(%arg4 : memref<10000xi32, #tpu.memory_space<vmem>>)
    %add3A_67 = arith.constant 240000 : i32
    %add3A_68 = arith.addi %mul3A_34, %add3A_67 : i32
    %parallel_loop3A_69 = arith.constant 0 : i32
    %parallel_loop3A_70 = arith.constant 625 : i32
    %parallel_loop3A_71 = arith.constant 1 : i32
    %parallel_loop3A_72 = arith.constant 62500 : i32
    scf.for %parallel_loop3A_95 = %parallel_loop3A_69 to %parallel_loop3A_70 step %parallel_loop3A_71  : i32 {
      %parallel_loop3A_96 = arith.constant 16 : i32
      %parallel_loop3A_97 = arith.muli %parallel_loop3A_95, %parallel_loop3A_96 : i32
      %parallel_loop3A_98 = arith.index_cast %parallel_loop3A_97 : i32 to index
      %parallel_loop3A_99 = tpu.vector_load %arg4[%parallel_loop3A_98] {strides = array<i32>} : memref<10000xi32, #tpu.memory_space<vmem>>, vector<16xi32>,
      %parallel_loop3A_100 = arith.constant 16 : i32
      %parallel_loop3A_101 = arith.muli %parallel_loop3A_95, %parallel_loop3A_100 : i32
      %parallel_loop3A_102 = arith.addi %add3A_68, %parallel_loop3A_101 : i32
      %parallel_loop3A_103 = vector.broadcast %parallel_loop3A_102 : i32 to vector<16xi32>
      %parallel_loop3A_104 = arith.addi %parallel_loop3A_103, %iota3A : vector<16xi32>
      %parallel_loop3A_105 = vector.broadcast %mul3A_32 : i32 to vector<16xi32>
      %parallel_loop3A_106 = arith.subi %parallel_loop3A_99, %parallel_loop3A_105 : vector<16xi32>
      %parallel_loop3A_107 = vector.bitcast %parallel_loop3A_106 : vector<16xi32> to vector<16xi32>
      %parallel_loop3A_108 = vector.broadcast %parallel_loop3A_72 : i32 to vector<16xi32>
      %parallel_loop3A_109 = arith.cmpi ult, %parallel_loop3A_107, %parallel_loop3A_108 : vector<16xi32>
      tpu.vector_store_idx %arg6[%parallel_loop3A_106], %parallel_loop3A_104 masked %parallel_loop3A_109 : memref<62528xi32, #tpu.memory_space<vmem>>[vector<16xi32>], vector<16xi32>, vector<16xi1>
    } {sc.loop_unroll_factor = 25 : i64, sc.parallel_access}
    %barrier3A_73 = arith.constant 0 : index
    tpu.barrier barrier_id(%barrier3A_73)
    %eq3A_74 = arith.constant 0 : i32
    %eq3A_75 = arith.cmpi eq, %select_n3A_9, %eq3A_74 : i32
    %convert_element_type3A_76 = arith.extui %eq3A_75 : i1 to i32
    %cond3A_77 = arith.constant 0 : i32
    %cond3A_78 = arith.cmpi ne, %convert_element_type3A_76, %cond3A_77 : i32
    scf.if %cond3A_78 {
      %mul3A_95 = arith.constant 32768 : i32
      %mul3A_96 = arith.muli %arg1, %mul3A_95 : i32
      "tpu.region"() ({
        %run_scoped3A = tpu.sem_alloc : memref<!tpu.dma_semaphore, #tpu.memory_space<semaphore_mem>>
        %dma_start3A_97 = arith.constant 32768 : i32
        %dma_start3A_98 = tpu.memref_slice %arg6[%dma_start3A_97] : memref<62528xi32, #tpu.memory_space<vmem>> -> memref<29760xi32, #tpu.memory_space<vmem>>
        %dma_start3A_99 = tpu.memref_slice %arg7[%mul3A_96] : memref<524288xi32, #tpu.memory_space<vmem_shared>> -> memref<29760xi32, #tpu.memory_space<vmem_shared>>
        %dma_start3A_100 = tpu.memref_slice %arg7[%mul3A_96] : memref<524288xi32, #tpu.memory_space<vmem_shared>> -> memref<29760xi32, #tpu.memory_space<vmem_shared>>
        %dma_start3A_101 = arith.constant 32768 : i32
        %dma_start3A_102 = tpu.memref_slice %arg6[%dma_start3A_101] : memref<62528xi32, #tpu.memory_space<vmem>> -> memref<29760xi32, #tpu.memory_space<vmem>>
        tpu.enqueue_dma source(%dma_start3A_102 : memref<29760xi32, #tpu.memory_space<vmem>>) target(%dma_start3A_100 : memref<29760xi32, #tpu.memory_space<vmem_shared>>) target_semaphore(%run_scoped3A : memref<!tpu.dma_semaphore, #tpu.memory_space<semaphore_mem>>)
        %dma_wait3A_103 = arith.constant 32768 : i32
        %dma_wait3A_104 = tpu.memref_slice %arg6[%dma_wait3A_103] : memref<62528xi32, #tpu.memory_space<vmem>> -> memref<29760xi32, #tpu.memory_space<vmem>>
        %dma_wait3A_105 = tpu.memref_slice %arg7[%mul3A_96] : memref<524288xi32, #tpu.memory_space<vmem_shared>> -> memref<29760xi32, #tpu.memory_space<vmem_shared>>
        %dma_wait3A_106 = tpu.memref_slice %arg7[%mul3A_96] : memref<524288xi32, #tpu.memory_space<vmem_shared>> -> memref<29760xi32, #tpu.memory_space<vmem_shared>>
        %dma_wait3A_107 = arith.constant 32768 : i32
        %dma_wait3A_108 = tpu.memref_slice %arg6[%dma_wait3A_107] : memref<62528xi32, #tpu.memory_space<vmem>> -> memref<29760xi32, #tpu.memory_space<vmem>>
        tpu.wait_dma2 semaphore(%run_scoped3A : memref<!tpu.dma_semaphore, #tpu.memory_space<semaphore_mem>>) src(%dma_wait3A_108 : memref<29760xi32, #tpu.memory_space<vmem>>) dst(%dma_wait3A_106 : memref<29760xi32, #tpu.memory_space<vmem_shared>>)
        tpu.yield
      }) : () -> ()
    } else {
    }
    %eq3A_79 = arith.constant 1 : i32
    %eq3A_80 = arith.cmpi eq, %select_n3A_9, %eq3A_79 : i32
    %convert_element_type3A_81 = arith.extui %eq3A_80 : i1 to i32
    %cond3A_82 = arith.constant 0 : i32
    %cond3A_83 = arith.cmpi ne, %convert_element_type3A_81, %cond3A_82 : i32
    scf.if %cond3A_83 {
      %mul3A_95 = arith.constant 32768 : i32
      %mul3A_96 = arith.muli %arg1, %mul3A_95 : i32
      "tpu.region"() ({
        %run_scoped3A = tpu.sem_alloc : memref<!tpu.dma_semaphore, #tpu.memory_space<semaphore_mem>>
        %dma_start3A_97 = arith.constant 0 : i32
        %dma_start3A_98 = tpu.memref_slice %arg6[%dma_start3A_97] : memref<62528xi32, #tpu.memory_space<vmem>> -> memref<32768xi32, #tpu.memory_space<vmem>>
        %dma_start3A_99 = tpu.memref_slice %arg7[%mul3A_96] : memref<524288xi32, #tpu.memory_space<vmem_shared>> -> memref<32768xi32, #tpu.memory_space<vmem_shared>>
        %dma_start3A_100 = tpu.memref_slice %arg7[%mul3A_96] : memref<524288xi32, #tpu.memory_space<vmem_shared>> -> memref<32768xi32, #tpu.memory_space<vmem_shared>>
        %dma_start3A_101 = arith.constant 0 : i32
        %dma_start3A_102 = tpu.memref_slice %arg6[%dma_start3A_101] : memref<62528xi32, #tpu.memory_space<vmem>> -> memref<32768xi32, #tpu.memory_space<vmem>>
        tpu.enqueue_dma source(%dma_start3A_102 : memref<32768xi32, #tpu.memory_space<vmem>>) target(%dma_start3A_100 : memref<32768xi32, #tpu.memory_space<vmem_shared>>) target_semaphore(%run_scoped3A : memref<!tpu.dma_semaphore, #tpu.memory_space<semaphore_mem>>)
        %dma_wait3A_103 = arith.constant 0 : i32
        %dma_wait3A_104 = tpu.memref_slice %arg6[%dma_wait3A_103] : memref<62528xi32, #tpu.memory_space<vmem>> -> memref<32768xi32, #tpu.memory_space<vmem>>
        %dma_wait3A_105 = tpu.memref_slice %arg7[%mul3A_96] : memref<524288xi32, #tpu.memory_space<vmem_shared>> -> memref<32768xi32, #tpu.memory_space<vmem_shared>>
        %dma_wait3A_106 = tpu.memref_slice %arg7[%mul3A_96] : memref<524288xi32, #tpu.memory_space<vmem_shared>> -> memref<32768xi32, #tpu.memory_space<vmem_shared>>
        %dma_wait3A_107 = arith.constant 0 : i32
        %dma_wait3A_108 = tpu.memref_slice %arg6[%dma_wait3A_107] : memref<62528xi32, #tpu.memory_space<vmem>> -> memref<32768xi32, #tpu.memory_space<vmem>>
        tpu.wait_dma2 semaphore(%run_scoped3A : memref<!tpu.dma_semaphore, #tpu.memory_space<semaphore_mem>>) src(%dma_wait3A_108 : memref<32768xi32, #tpu.memory_space<vmem>>) dst(%dma_wait3A_106 : memref<32768xi32, #tpu.memory_space<vmem_shared>>)
        tpu.yield
      }) : () -> ()
    } else {
    }
    %barrier3A_84 = arith.constant 0 : index
    tpu.barrier barrier_id(%barrier3A_84)
    %eq3A_85 = arith.constant 0 : i32
    %eq3A_86 = arith.cmpi eq, %select_n3A_9, %eq3A_85 : i32
    %convert_element_type3A_87 = arith.extui %eq3A_86 : i1 to i32
    %cond3A_88 = arith.constant 0 : i32
    %cond3A_89 = arith.cmpi ne, %convert_element_type3A_87, %cond3A_88 : i32
    scf.if %cond3A_89 {
      %add3A_95 = arith.constant 1 : i32
      %add3A_96 = arith.addi %arg1, %add3A_95 : i32
      %mul3A_97 = arith.constant 32768 : i32
      %mul3A_98 = arith.muli %add3A_96, %mul3A_97 : i32
      %dma_start3A_99 = arith.constant 0 : i32
      %dma_start3A_100 = tpu.memref_slice %arg4[%dma_start3A_99] : memref<10000xi32, #tpu.memory_space<vmem>> -> memref<8192xi32, #tpu.memory_space<vmem>>
      %dma_start3A_101 = tpu.memref_slice %arg7[%mul3A_98] : memref<524288xi32, #tpu.memory_space<vmem_shared>> -> memref<8192xi32, #tpu.memory_space<vmem_shared>>
      %dma_start3A_102 = arith.constant 0 : i32
      %dma_start3A_103 = tpu.memref_slice %arg4[%dma_start3A_102] : memref<10000xi32, #tpu.memory_space<vmem>> -> memref<8192xi32, #tpu.memory_space<vmem>>
      %dma_start3A_104 = tpu.memref_slice %arg7[%mul3A_98] : memref<524288xi32, #tpu.memory_space<vmem_shared>> -> memref<8192xi32, #tpu.memory_space<vmem_shared>>
      tpu.enqueue_dma source(%dma_start3A_104 : memref<8192xi32, #tpu.memory_space<vmem_shared>>) target(%dma_start3A_103 : memref<8192xi32, #tpu.memory_space<vmem>>) target_semaphore(%arg8 : memref<!tpu.dma_semaphore, #tpu.memory_space<semaphore_mem>>)
      %dma_wait3A_105 = arith.constant 0 : i32
      %dma_wait3A_106 = tpu.memref_slice %arg4[%dma_wait3A_105] : memref<10000xi32, #tpu.memory_space<vmem>> -> memref<8192xi32, #tpu.memory_space<vmem>>
      %dma_wait3A_107 = arith.constant 0 : i32
      %dma_wait3A_108 = tpu.memref_slice %arg7[%dma_wait3A_107] : memref<524288xi32, #tpu.memory_space<vmem_shared>> -> memref<8192xi32, #tpu.memory_space<vmem_shared>>
      %dma_wait3A_109 = arith.constant 0 : i32
      %dma_wait3A_110 = tpu.memref_slice %arg4[%dma_wait3A_109] : memref<10000xi32, #tpu.memory_space<vmem>> -> memref<8192xi32, #tpu.memory_space<vmem>>
      %dma_wait3A_111 = arith.constant 0 : i32
      %dma_wait3A_112 = tpu.memref_slice %arg7[%dma_wait3A_111] : memref<524288xi32, #tpu.memory_space<vmem_shared>> -> memref<8192xi32, #tpu.memory_space<vmem_shared>>
      tpu.wait_dma2 semaphore(%arg8 : memref<!tpu.dma_semaphore, #tpu.memory_space<semaphore_mem>>) src(%dma_wait3A_112 : memref<8192xi32, #tpu.memory_space<vmem_shared>>) dst(%dma_wait3A_110 : memref<8192xi32, #tpu.memory_space<vmem>>)
      %add3A_113 = arith.constant 8192 : i32
      %add3A_114 = arith.addi %mul3A_98, %add3A_113 : i32
      %dma_start3A_115 = arith.constant 0 : i32
      %dma_start3A_116 = tpu.memref_slice %arg5[%dma_start3A_115] : memref<10000xi32, #tpu.memory_space<vmem>> -> memref<8192xi32, #tpu.memory_space<vmem>>
      %dma_start3A_117 = tpu.memref_slice %arg7[%add3A_114] : memref<524288xi32, #tpu.memory_space<vmem_shared>> -> memref<8192xi32, #tpu.memory_space<vmem_shared>>
      %dma_start3A_118 = arith.constant 0 : i32
      %dma_start3A_119 = tpu.memref_slice %arg5[%dma_start3A_118] : memref<10000xi32, #tpu.memory_space<vmem>> -> memref<8192xi32, #tpu.memory_space<vmem>>
      %dma_start3A_120 = tpu.memref_slice %arg7[%add3A_114] : memref<524288xi32, #tpu.memory_space<vmem_shared>> -> memref<8192xi32, #tpu.memory_space<vmem_shared>>
      tpu.enqueue_dma source(%dma_start3A_120 : memref<8192xi32, #tpu.memory_space<vmem_shared>>) target(%dma_start3A_119 : memref<8192xi32, #tpu.memory_space<vmem>>) target_semaphore(%arg9 : memref<!tpu.dma_semaphore, #tpu.memory_space<semaphore_mem>>)
      %parallel_loop3A_121 = arith.constant 0 : i32
      %parallel_loop3A_122 = arith.constant 512 : i32
      %parallel_loop3A_123 = arith.constant 1 : i32
      scf.for %parallel_loop3A_173 = %parallel_loop3A_121 to %parallel_loop3A_122 step %parallel_loop3A_123  : i32 {
        %parallel_loop3A_174 = arith.constant 16 : i32
        %parallel_loop3A_175 = arith.muli %parallel_loop3A_173, %parallel_loop3A_174 : i32
        %parallel_loop3A_176 = arith.constant 0 : i32
        %parallel_loop3A_177 = arith.addi %parallel_loop3A_176, %parallel_loop3A_175 : i32
        %parallel_loop3A_178 = arith.index_cast %parallel_loop3A_177 : i32 to index
        %parallel_loop3A_179 = tpu.vector_load %arg6[%parallel_loop3A_178] {strides = array<i32>} : memref<62528xi32, #tpu.memory_space<vmem>>, vector<16xi32>,
        %parallel_loop3A_180 = arith.constant 16 : i32
        %parallel_loop3A_181 = arith.muli %parallel_loop3A_173, %parallel_loop3A_180 : i32
        %parallel_loop3A_182 = arith.index_cast %parallel_loop3A_181 : i32 to index
        %parallel_loop3A_183 = tpu.vector_load %arg4[%parallel_loop3A_182] {strides = array<i32>} : memref<10000xi32, #tpu.memory_space<vmem>>, vector<16xi32>,
        %parallel_loop3A_184 = arith.maxsi %parallel_loop3A_179, %parallel_loop3A_183 : vector<16xi32>
        %parallel_loop3A_185 = arith.index_cast %parallel_loop3A_177 : i32 to index
        %parallel_loop3A_186 = tpu.vector_load %arg6[%parallel_loop3A_185] {strides = array<i32>} : memref<62528xi32, #tpu.memory_space<vmem>>, vector<16xi32>,
        tpu.vector_store %arg6[%parallel_loop3A_185], %parallel_loop3A_184 {strides = array<i32>} : memref<62528xi32, #tpu.memory_space<vmem>>, vector<16xi32>,
      } {sc.loop_unroll_factor = 8 : i64, sc.parallel_access}
      %dma_wait3A_124 = arith.constant 0 : i32
      %dma_wait3A_125 = tpu.memref_slice %arg5[%dma_wait3A_124] : memref<10000xi32, #tpu.memory_space<vmem>> -> memref<8192xi32, #tpu.memory_space<vmem>>
      %dma_wait3A_126 = arith.constant 0 : i32
      %dma_wait3A_127 = tpu.memref_slice %arg7[%dma_wait3A_126] : memref<524288xi32, #tpu.memory_space<vmem_shared>> -> memref<8192xi32, #tpu.memory_space<vmem_shared>>
      %dma_wait3A_128 = arith.constant 0 : i32
      %dma_wait3A_129 = tpu.memref_slice %arg5[%dma_wait3A_128] : memref<10000xi32, #tpu.memory_space<vmem>> -> memref<8192xi32, #tpu.memory_space<vmem>>
      %dma_wait3A_130 = arith.constant 0 : i32
      %dma_wait3A_131 = tpu.memref_slice %arg7[%dma_wait3A_130] : memref<524288xi32, #tpu.memory_space<vmem_shared>> -> memref<8192xi32, #tpu.memory_space<vmem_shared>>
      tpu.wait_dma2 semaphore(%arg9 : memref<!tpu.dma_semaphore, #tpu.memory_space<semaphore_mem>>) src(%dma_wait3A_131 : memref<8192xi32, #tpu.memory_space<vmem_shared>>) dst(%dma_wait3A_129 : memref<8192xi32, #tpu.memory_space<vmem>>)
      %add3A_132 = arith.constant 16384 : i32
      %add3A_133 = arith.addi %mul3A_98, %add3A_132 : i32
      %dma_start3A_134 = arith.constant 0 : i32
      %dma_start3A_135 = tpu.memref_slice %arg4[%dma_start3A_134] : memref<10000xi32, #tpu.memory_space<vmem>> -> memref<8192xi32, #tpu.memory_space<vmem>>
      %dma_start3A_136 = tpu.memref_slice %arg7[%add3A_133] : memref<524288xi32, #tpu.memory_space<vmem_shared>> -> memref<8192xi32, #tpu.memory_space<vmem_shared>>
      %dma_start3A_137 = arith.constant 0 : i32
      %dma_start3A_138 = tpu.memref_slice %arg4[%dma_start3A_137] : memref<10000xi32, #tpu.memory_space<vmem>> -> memref<8192xi32, #tpu.memory_space<vmem>>
      %dma_start3A_139 = tpu.memref_slice %arg7[%add3A_133] : memref<524288xi32, #tpu.memory_space<vmem_shared>> -> memref<8192xi32, #tpu.memory_space<vmem_shared>>
      tpu.enqueue_dma source(%dma_start3A_139 : memref<8192xi32, #tpu.memory_space<vmem_shared>>) target(%dma_start3A_138 : memref<8192xi32, #tpu.memory_space<vmem>>) target_semaphore(%arg8 : memref<!tpu.dma_semaphore, #tpu.memory_space<semaphore_mem>>)
      %parallel_loop3A_140 = arith.constant 0 : i32
      %parallel_loop3A_141 = arith.constant 512 : i32
      %parallel_loop3A_142 = arith.constant 1 : i32
      scf.for %parallel_loop3A_173 = %parallel_loop3A_140 to %parallel_loop3A_141 step %parallel_loop3A_142  : i32 {
        %parallel_loop3A_174 = arith.constant 16 : i32
        %parallel_loop3A_175 = arith.muli %parallel_loop3A_173, %parallel_loop3A_174 : i32
        %parallel_loop3A_176 = arith.constant 8192 : i32
        %parallel_loop3A_177 = arith.addi %parallel_loop3A_176, %parallel_loop3A_175 : i32
        %parallel_loop3A_178 = arith.index_cast %parallel_loop3A_177 : i32 to index
        %parallel_loop3A_179 = tpu.vector_load %arg6[%parallel_loop3A_178] {strides = array<i32>} : memref<62528xi32, #tpu.memory_space<vmem>>, vector<16xi32>,
        %parallel_loop3A_180 = arith.constant 16 : i32
        %parallel_loop3A_181 = arith.muli %parallel_loop3A_173, %parallel_loop3A_180 : i32
        %parallel_loop3A_182 = arith.index_cast %parallel_loop3A_181 : i32 to index
        %parallel_loop3A_183 = tpu.vector_load %arg5[%parallel_loop3A_182] {strides = array<i32>} : memref<10000xi32, #tpu.memory_space<vmem>>, vector<16xi32>,
        %parallel_loop3A_184 = arith.maxsi %parallel_loop3A_179, %parallel_loop3A_183 : vector<16xi32>
        %parallel_loop3A_185 = arith.index_cast %parallel_loop3A_177 : i32 to index
        %parallel_loop3A_186 = tpu.vector_load %arg6[%parallel_loop3A_185] {strides = array<i32>} : memref<62528xi32, #tpu.memory_space<vmem>>, vector<16xi32>,
        tpu.vector_store %arg6[%parallel_loop3A_185], %parallel_loop3A_184 {strides = array<i32>} : memref<62528xi32, #tpu.memory_space<vmem>>, vector<16xi32>,
      } {sc.loop_unroll_factor = 8 : i64, sc.parallel_access}
      %dma_wait3A_143 = arith.constant 0 : i32
      %dma_wait3A_144 = tpu.memref_slice %arg4[%dma_wait3A_143] : memref<10000xi32, #tpu.memory_space<vmem>> -> memref<8192xi32, #tpu.memory_space<vmem>>
      %dma_wait3A_145 = arith.constant 0 : i32
      %dma_wait3A_146 = tpu.memref_slice %arg7[%dma_wait3A_145] : memref<524288xi32, #tpu.memory_space<vmem_shared>> -> memref<8192xi32, #tpu.memory_space<vmem_shared>>
      %dma_wait3A_147 = arith.constant 0 : i32
      %dma_wait3A_148 = tpu.memref_slice %arg4[%dma_wait3A_147] : memref<10000xi32, #tpu.memory_space<vmem>> -> memref<8192xi32, #tpu.memory_space<vmem>>
      %dma_wait3A_149 = arith.constant 0 : i32
      %dma_wait3A_150 = tpu.memref_slice %arg7[%dma_wait3A_149] : memref<524288xi32, #tpu.memory_space<vmem_shared>> -> memref<8192xi32, #tpu.memory_space<vmem_shared>>
      tpu.wait_dma2 semaphore(%arg8 : memref<!tpu.dma_semaphore, #tpu.memory_space<semaphore_mem>>) src(%dma_wait3A_150 : memref<8192xi32, #tpu.memory_space<vmem_shared>>) dst(%dma_wait3A_148 : memref<8192xi32, #tpu.memory_space<vmem>>)
      %add3A_151 = arith.constant 24576 : i32
      %add3A_152 = arith.addi %mul3A_98, %add3A_151 : i32
      %dma_start3A_153 = arith.constant 0 : i32
      %dma_start3A_154 = tpu.memref_slice %arg5[%dma_start3A_153] : memref<10000xi32, #tpu.memory_space<vmem>> -> memref<8192xi32, #tpu.memory_space<vmem>>
      %dma_start3A_155 = tpu.memref_slice %arg7[%add3A_152] : memref<524288xi32, #tpu.memory_space<vmem_shared>> -> memref<8192xi32, #tpu.memory_space<vmem_shared>>
      %dma_start3A_156 = arith.constant 0 : i32
      %dma_start3A_157 = tpu.memref_slice %arg5[%dma_start3A_156] : memref<10000xi32, #tpu.memory_space<vmem>> -> memref<8192xi32, #tpu.memory_space<vmem>>
      %dma_start3A_158 = tpu.memref_slice %arg7[%add3A_152] : memref<524288xi32, #tpu.memory_space<vmem_shared>> -> memref<8192xi32, #tpu.memory_space<vmem_shared>>
      tpu.enqueue_dma source(%dma_start3A_158 : memref<8192xi32, #tpu.memory_space<vmem_shared>>) target(%dma_start3A_157 : memref<8192xi32, #tpu.memory_space<vmem>>) target_semaphore(%arg9 : memref<!tpu.dma_semaphore, #tpu.memory_space<semaphore_mem>>)
      %parallel_loop3A_159 = arith.constant 0 : i32
      %parallel_loop3A_160 = arith.constant 512 : i32
      %parallel_loop3A_161 = arith.constant 1 : i32
      scf.for %parallel_loop3A_173 = %parallel_loop3A_159 to %parallel_loop3A_160 step %parallel_loop3A_161  : i32 {
        %parallel_loop3A_174 = arith.constant 16 : i32
        %parallel_loop3A_175 = arith.muli %parallel_loop3A_173, %parallel_loop3A_174 : i32
        %parallel_loop3A_176 = arith.constant 16384 : i32
        %parallel_loop3A_177 = arith.addi %parallel_loop3A_176, %parallel_loop3A_175 : i32
        %parallel_loop3A_178 = arith.index_cast %parallel_loop3A_177 : i32 to index
        %parallel_loop3A_179 = tpu.vector_load %arg6[%parallel_loop3A_178] {strides = array<i32>} : memref<62528xi32, #tpu.memory_space<vmem>>, vector<16xi32>,
        %parallel_loop3A_180 = arith.constant 16 : i32
        %parallel_loop3A_181 = arith.muli %parallel_loop3A_173, %parallel_loop3A_180 : i32
        %parallel_loop3A_182 = arith.index_cast %parallel_loop3A_181 : i32 to index
        %parallel_loop3A_183 = tpu.vector_load %arg4[%parallel_loop3A_182] {strides = array<i32>} : memref<10000xi32, #tpu.memory_space<vmem>>, vector<16xi32>,
        %parallel_loop3A_184 = arith.maxsi %parallel_loop3A_179, %parallel_loop3A_183 : vector<16xi32>
        %parallel_loop3A_185 = arith.index_cast %parallel_loop3A_177 : i32 to index
        %parallel_loop3A_186 = tpu.vector_load %arg6[%parallel_loop3A_185] {strides = array<i32>} : memref<62528xi32, #tpu.memory_space<vmem>>, vector<16xi32>,
        tpu.vector_store %arg6[%parallel_loop3A_185], %parallel_loop3A_184 {strides = array<i32>} : memref<62528xi32, #tpu.memory_space<vmem>>, vector<16xi32>,
      } {sc.loop_unroll_factor = 8 : i64, sc.parallel_access}
      %dma_wait3A_162 = arith.constant 0 : i32
      %dma_wait3A_163 = tpu.memref_slice %arg5[%dma_wait3A_162] : memref<10000xi32, #tpu.memory_space<vmem>> -> memref<8192xi32, #tpu.memory_space<vmem>>
      %dma_wait3A_164 = arith.constant 0 : i32
      %dma_wait3A_165 = tpu.memref_slice %arg7[%dma_wait3A_164] : memref<524288xi32, #tpu.memory_space<vmem_shared>> -> memref<8192xi32, #tpu.memory_space<vmem_shared>>
      %dma_wait3A_166 = arith.constant 0 : i32
      %dma_wait3A_167 = tpu.memref_slice %arg5[%dma_wait3A_166] : memref<10000xi32, #tpu.memory_space<vmem>> -> memref<8192xi32, #tpu.memory_space<vmem>>
      %dma_wait3A_168 = arith.constant 0 : i32
      %dma_wait3A_169 = tpu.memref_slice %arg7[%dma_wait3A_168] : memref<524288xi32, #tpu.memory_space<vmem_shared>> -> memref<8192xi32, #tpu.memory_space<vmem_shared>>
      tpu.wait_dma2 semaphore(%arg9 : memref<!tpu.dma_semaphore, #tpu.memory_space<semaphore_mem>>) src(%dma_wait3A_169 : memref<8192xi32, #tpu.memory_space<vmem_shared>>) dst(%dma_wait3A_167 : memref<8192xi32, #tpu.memory_space<vmem>>)
      %parallel_loop3A_170 = arith.constant 0 : i32
      %parallel_loop3A_171 = arith.constant 512 : i32
      %parallel_loop3A_172 = arith.constant 1 : i32
      scf.for %parallel_loop3A_173 = %parallel_loop3A_170 to %parallel_loop3A_171 step %parallel_loop3A_172  : i32 {
        %parallel_loop3A_174 = arith.constant 16 : i32
        %parallel_loop3A_175 = arith.muli %parallel_loop3A_173, %parallel_loop3A_174 : i32
        %parallel_loop3A_176 = arith.constant 24576 : i32
        %parallel_loop3A_177 = arith.addi %parallel_loop3A_176, %parallel_loop3A_175 : i32
        %parallel_loop3A_178 = arith.index_cast %parallel_loop3A_177 : i32 to index
        %parallel_loop3A_179 = tpu.vector_load %arg6[%parallel_loop3A_178] {strides = array<i32>} : memref<62528xi32, #tpu.memory_space<vmem>>, vector<16xi32>,
        %parallel_loop3A_180 = arith.constant 16 : i32
        %parallel_loop3A_181 = arith.muli %parallel_loop3A_173, %parallel_loop3A_180 : i32
        %parallel_loop3A_182 = arith.index_cast %parallel_loop3A_181 : i32 to index
        %parallel_loop3A_183 = tpu.vector_load %arg5[%parallel_loop3A_182] {strides = array<i32>} : memref<10000xi32, #tpu.memory_space<vmem>>, vector<16xi32>,
        %parallel_loop3A_184 = arith.maxsi %parallel_loop3A_179, %parallel_loop3A_183 : vector<16xi32>
        %parallel_loop3A_185 = arith.index_cast %parallel_loop3A_177 : i32 to index
        %parallel_loop3A_186 = tpu.vector_load %arg6[%parallel_loop3A_185] {strides = array<i32>} : memref<62528xi32, #tpu.memory_space<vmem>>, vector<16xi32>,
        tpu.vector_store %arg6[%parallel_loop3A_185], %parallel_loop3A_184 {strides = array<i32>} : memref<62528xi32, #tpu.memory_space<vmem>>, vector<16xi32>,
      } {sc.loop_unroll_factor = 8 : i64, sc.parallel_access}
      "tpu.region"() ({
        %run_scoped3A = tpu.sem_alloc : memref<!tpu.dma_semaphore, #tpu.memory_space<semaphore_mem>>
        %dma_start3A_173 = arith.constant 0 : i32
        %dma_start3A_174 = tpu.memref_slice %arg6[%dma_start3A_173] : memref<62528xi32, #tpu.memory_space<vmem>> -> memref<32768xi32, #tpu.memory_space<vmem>>
        %dma_start3A_175 = arith.constant 0 : i32
        %dma_start3A_176 = tpu.memref_slice %arg3[%select_n3A_30, %dma_start3A_175] : memref<16x62500xi32, #tpu.memory_space<hbm>> -> memref<1x32768xi32, #tpu.memory_space<hbm>>
        %dma_start3A_177 = tpu.memref_squeeze %dma_start3A_176 : memref<1x32768xi32, #tpu.memory_space<hbm>> -> memref<32768xi32, #tpu.memory_space<hbm>>
        %dma_start3A_178 = arith.constant 0 : i32
        %dma_start3A_179 = tpu.memref_slice %arg3[%select_n3A_30, %dma_start3A_178] : memref<16x62500xi32, #tpu.memory_space<hbm>> -> memref<1x32768xi32, #tpu.memory_space<hbm>>
        %dma_start3A_180 = tpu.memref_squeeze %dma_start3A_179 : memref<1x32768xi32, #tpu.memory_space<hbm>> -> memref<32768xi32, #tpu.memory_space<hbm>>
        %dma_start3A_181 = arith.constant 0 : i32
        %dma_start3A_182 = tpu.memref_slice %arg6[%dma_start3A_181] : memref<62528xi32, #tpu.memory_space<vmem>> -> memref<32768xi32, #tpu.memory_space<vmem>>
        tpu.enqueue_dma source(%dma_start3A_182 : memref<32768xi32, #tpu.memory_space<vmem>>) target(%dma_start3A_180 : memref<32768xi32, #tpu.memory_space<hbm>>) target_semaphore(%run_scoped3A : memref<!tpu.dma_semaphore, #tpu.memory_space<semaphore_mem>>)
        %dma_wait3A_183 = arith.constant 0 : i32
        %dma_wait3A_184 = tpu.memref_slice %arg6[%dma_wait3A_183] : memref<62528xi32, #tpu.memory_space<vmem>> -> memref<32768xi32, #tpu.memory_space<vmem>>
        %dma_wait3A_185 = arith.constant 0 : i32
        %dma_wait3A_186 = tpu.memref_slice %arg3[%select_n3A_30, %dma_wait3A_185] : memref<16x62500xi32, #tpu.memory_space<hbm>> -> memref<1x32768xi32, #tpu.memory_space<hbm>>
        %dma_wait3A_187 = tpu.memref_squeeze %dma_wait3A_186 : memref<1x32768xi32, #tpu.memory_space<hbm>> -> memref<32768xi32, #tpu.memory_space<hbm>>
        %dma_wait3A_188 = arith.constant 0 : i32
        %dma_wait3A_189 = tpu.memref_slice %arg3[%select_n3A_30, %dma_wait3A_188] : memref<16x62500xi32, #tpu.memory_space<hbm>> -> memref<1x32768xi32, #tpu.memory_space<hbm>>
        %dma_wait3A_190 = tpu.memref_squeeze %dma_wait3A_189 : memref<1x32768xi32, #tpu.memory_space<hbm>> -> memref<32768xi32, #tpu.memory_space<hbm>>
        %dma_wait3A_191 = arith.constant 0 : i32
        %dma_wait3A_192 = tpu.memref_slice %arg6[%dma_wait3A_191] : memref<62528xi32, #tpu.memory_space<vmem>> -> memref<32768xi32, #tpu.memory_space<vmem>>
        tpu.wait_dma2 semaphore(%run_scoped3A : memref<!tpu.dma_semaphore, #tpu.memory_space<semaphore_mem>>) src(%dma_wait3A_192 : memref<32768xi32, #tpu.memory_space<vmem>>) dst(%dma_wait3A_190 : memref<32768xi32, #tpu.memory_space<hbm>>)
        tpu.yield
      }) : () -> ()
    } else {
    }
    %eq3A_90 = arith.constant 1 : i32
    %eq3A_91 = arith.cmpi eq, %select_n3A_9, %eq3A_90 : i32
    %convert_element_type3A_92 = arith.extui %eq3A_91 : i1 to i32
    %cond3A_93 = arith.constant 0 : i32
    %cond3A_94 = arith.cmpi ne, %convert_element_type3A_92, %cond3A_93 : i32
    scf.if %cond3A_94 {
      %sub3A_95 = arith.constant 1 : i32
      %sub3A_96 = arith.subi %arg1, %sub3A_95 : i32
      %mul3A_97 = arith.constant 32768 : i32
      %mul3A_98 = arith.muli %sub3A_96, %mul3A_97 : i32
      %dma_start3A_99 = arith.constant 0 : i32
      %dma_start3A_100 = tpu.memref_slice %arg4[%dma_start3A_99] : memref<10000xi32, #tpu.memory_space<vmem>> -> memref<4960xi32, #tpu.memory_space<vmem>>
      %dma_start3A_101 = tpu.memref_slice %arg7[%mul3A_98] : memref<524288xi32, #tpu.memory_space<vmem_shared>> -> memref<4960xi32, #tpu.memory_space<vmem_shared>>
      %dma_start3A_102 = arith.constant 0 : i32
      %dma_start3A_103 = tpu.memref_slice %arg4[%dma_start3A_102] : memref<10000xi32, #tpu.memory_space<vmem>> -> memref<4960xi32, #tpu.memory_space<vmem>>
      %dma_start3A_104 = tpu.memref_slice %arg7[%mul3A_98] : memref<524288xi32, #tpu.memory_space<vmem_shared>> -> memref<4960xi32, #tpu.memory_space<vmem_shared>>
      tpu.enqueue_dma source(%dma_start3A_104 : memref<4960xi32, #tpu.memory_space<vmem_shared>>) target(%dma_start3A_103 : memref<4960xi32, #tpu.memory_space<vmem>>) target_semaphore(%arg8 : memref<!tpu.dma_semaphore, #tpu.memory_space<semaphore_mem>>)
      %dma_wait3A_105 = arith.constant 0 : i32
      %dma_wait3A_106 = tpu.memref_slice %arg4[%dma_wait3A_105] : memref<10000xi32, #tpu.memory_space<vmem>> -> memref<4960xi32, #tpu.memory_space<vmem>>
      %dma_wait3A_107 = arith.constant 0 : i32
      %dma_wait3A_108 = tpu.memref_slice %arg7[%dma_wait3A_107] : memref<524288xi32, #tpu.memory_space<vmem_shared>> -> memref<4960xi32, #tpu.memory_space<vmem_shared>>
      %dma_wait3A_109 = arith.constant 0 : i32
      %dma_wait3A_110 = tpu.memref_slice %arg4[%dma_wait3A_109] : memref<10000xi32, #tpu.memory_space<vmem>> -> memref<4960xi32, #tpu.memory_space<vmem>>
      %dma_wait3A_111 = arith.constant 0 : i32
      %dma_wait3A_112 = tpu.memref_slice %arg7[%dma_wait3A_111] : memref<524288xi32, #tpu.memory_space<vmem_shared>> -> memref<4960xi32, #tpu.memory_space<vmem_shared>>
      tpu.wait_dma2 semaphore(%arg8 : memref<!tpu.dma_semaphore, #tpu.memory_space<semaphore_mem>>) src(%dma_wait3A_112 : memref<4960xi32, #tpu.memory_space<vmem_shared>>) dst(%dma_wait3A_110 : memref<4960xi32, #tpu.memory_space<vmem>>)
      %add3A_113 = arith.constant 4960 : i32
      %add3A_114 = arith.addi %mul3A_98, %add3A_113 : i32
      %dma_start3A_115 = arith.constant 0 : i32
      %dma_start3A_116 = tpu.memref_slice %arg5[%dma_start3A_115] : memref<10000xi32, #tpu.memory_space<vmem>> -> memref<4960xi32, #tpu.memory_space<vmem>>
      %dma_start3A_117 = tpu.memref_slice %arg7[%add3A_114] : memref<524288xi32, #tpu.memory_space<vmem_shared>> -> memref<4960xi32, #tpu.memory_space<vmem_shared>>
      %dma_start3A_118 = arith.constant 0 : i32
      %dma_start3A_119 = tpu.memref_slice %arg5[%dma_start3A_118] : memref<10000xi32, #tpu.memory_space<vmem>> -> memref<4960xi32, #tpu.memory_space<vmem>>
      %dma_start3A_120 = tpu.memref_slice %arg7[%add3A_114] : memref<524288xi32, #tpu.memory_space<vmem_shared>> -> memref<4960xi32, #tpu.memory_space<vmem_shared>>
      tpu.enqueue_dma source(%dma_start3A_120 : memref<4960xi32, #tpu.memory_space<vmem_shared>>) target(%dma_start3A_119 : memref<4960xi32, #tpu.memory_space<vmem>>) target_semaphore(%arg9 : memref<!tpu.dma_semaphore, #tpu.memory_space<semaphore_mem>>)
      %parallel_loop3A_121 = arith.constant 0 : i32
      %parallel_loop3A_122 = arith.constant 310 : i32
      %parallel_loop3A_123 = arith.constant 1 : i32
      scf.for %parallel_loop3A_211 = %parallel_loop3A_121 to %parallel_loop3A_122 step %parallel_loop3A_123  : i32 {
        %parallel_loop3A_212 = arith.constant 16 : i32
        %parallel_loop3A_213 = arith.muli %parallel_loop3A_211, %parallel_loop3A_212 : i32
        %parallel_loop3A_214 = arith.constant 32768 : i32
        %parallel_loop3A_215 = arith.addi %parallel_loop3A_214, %parallel_loop3A_213 : i32
        %parallel_loop3A_216 = arith.index_cast %parallel_loop3A_215 : i32 to index
        %parallel_loop3A_217 = tpu.vector_load %arg6[%parallel_loop3A_216] {strides = array<i32>} : memref<62528xi32, #tpu.memory_space<vmem>>, vector<16xi32>,
        %parallel_loop3A_218 = arith.constant 16 : i32
        %parallel_loop3A_219 = arith.muli %parallel_loop3A_211, %parallel_loop3A_218 : i32
        %parallel_loop3A_220 = arith.index_cast %parallel_loop3A_219 : i32 to index
        %parallel_loop3A_221 = tpu.vector_load %arg4[%parallel_loop3A_220] {strides = array<i32>} : memref<10000xi32, #tpu.memory_space<vmem>>, vector<16xi32>,
        %parallel_loop3A_222 = arith.maxsi %parallel_loop3A_217, %parallel_loop3A_221 : vector<16xi32>
        %parallel_loop3A_223 = arith.index_cast %parallel_loop3A_215 : i32 to index
        %parallel_loop3A_224 = tpu.vector_load %arg6[%parallel_loop3A_223] {strides = array<i32>} : memref<62528xi32, #tpu.memory_space<vmem>>, vector<16xi32>,
        tpu.vector_store %arg6[%parallel_loop3A_223], %parallel_loop3A_222 {strides = array<i32>} : memref<62528xi32, #tpu.memory_space<vmem>>, vector<16xi32>,
      } {sc.loop_unroll_factor = 5 : i64, sc.parallel_access}
      %dma_wait3A_124 = arith.constant 0 : i32
      %dma_wait3A_125 = tpu.memref_slice %arg5[%dma_wait3A_124] : memref<10000xi32, #tpu.memory_space<vmem>> -> memref<4960xi32, #tpu.memory_space<vmem>>
      %dma_wait3A_126 = arith.constant 0 : i32
      %dma_wait3A_127 = tpu.memref_slice %arg7[%dma_wait3A_126] : memref<524288xi32, #tpu.memory_space<vmem_shared>> -> memref<4960xi32, #tpu.memory_space<vmem_shared>>
      %dma_wait3A_128 = arith.constant 0 : i32
      %dma_wait3A_129 = tpu.memref_slice %arg5[%dma_wait3A_128] : memref<10000xi32, #tpu.memory_space<vmem>> -> memref<4960xi32, #tpu.memory_space<vmem>>
      %dma_wait3A_130 = arith.constant 0 : i32
      %dma_wait3A_131 = tpu.memref_slice %arg7[%dma_wait3A_130] : memref<524288xi32, #tpu.memory_space<vmem_shared>> -> memref<4960xi32, #tpu.memory_space<vmem_shared>>
      tpu.wait_dma2 semaphore(%arg9 : memref<!tpu.dma_semaphore, #tpu.memory_space<semaphore_mem>>) src(%dma_wait3A_131 : memref<4960xi32, #tpu.memory_space<vmem_shared>>) dst(%dma_wait3A_129 : memref<4960xi32, #tpu.memory_space<vmem>>)
      %add3A_132 = arith.constant 9920 : i32
      %add3A_133 = arith.addi %mul3A_98, %add3A_132 : i32
      %dma_start3A_134 = arith.constant 0 : i32
      %dma_start3A_135 = tpu.memref_slice %arg4[%dma_start3A_134] : memref<10000xi32, #tpu.memory_space<vmem>> -> memref<4960xi32, #tpu.memory_space<vmem>>
      %dma_start3A_136 = tpu.memref_slice %arg7[%add3A_133] : memref<524288xi32, #tpu.memory_space<vmem_shared>> -> memref<4960xi32, #tpu.memory_space<vmem_shared>>
      %dma_start3A_137 = arith.constant 0 : i32
      %dma_start3A_138 = tpu.memref_slice %arg4[%dma_start3A_137] : memref<10000xi32, #tpu.memory_space<vmem>> -> memref<4960xi32, #tpu.memory_space<vmem>>
      %dma_start3A_139 = tpu.memref_slice %arg7[%add3A_133] : memref<524288xi32, #tpu.memory_space<vmem_shared>> -> memref<4960xi32, #tpu.memory_space<vmem_shared>>
      tpu.enqueue_dma source(%dma_start3A_139 : memref<4960xi32, #tpu.memory_space<vmem_shared>>) target(%dma_start3A_138 : memref<4960xi32, #tpu.memory_space<vmem>>) target_semaphore(%arg8 : memref<!tpu.dma_semaphore, #tpu.memory_space<semaphore_mem>>)
      %parallel_loop3A_140 = arith.constant 0 : i32
      %parallel_loop3A_141 = arith.constant 310 : i32
      %parallel_loop3A_142 = arith.constant 1 : i32
      scf.for %parallel_loop3A_211 = %parallel_loop3A_140 to %parallel_loop3A_141 step %parallel_loop3A_142  : i32 {
        %parallel_loop3A_212 = arith.constant 16 : i32
        %parallel_loop3A_213 = arith.muli %parallel_loop3A_211, %parallel_loop3A_212 : i32
        %parallel_loop3A_214 = arith.constant 37728 : i32
        %parallel_loop3A_215 = arith.addi %parallel_loop3A_214, %parallel_loop3A_213 : i32
        %parallel_loop3A_216 = arith.index_cast %parallel_loop3A_215 : i32 to index
        %parallel_loop3A_217 = tpu.vector_load %arg6[%parallel_loop3A_216] {strides = array<i32>} : memref<62528xi32, #tpu.memory_space<vmem>>, vector<16xi32>,
        %parallel_loop3A_218 = arith.constant 16 : i32
        %parallel_loop3A_219 = arith.muli %parallel_loop3A_211, %parallel_loop3A_218 : i32
        %parallel_loop3A_220 = arith.index_cast %parallel_loop3A_219 : i32 to index
        %parallel_loop3A_221 = tpu.vector_load %arg5[%parallel_loop3A_220] {strides = array<i32>} : memref<10000xi32, #tpu.memory_space<vmem>>, vector<16xi32>,
        %parallel_loop3A_222 = arith.maxsi %parallel_loop3A_217, %parallel_loop3A_221 : vector<16xi32>
        %parallel_loop3A_223 = arith.index_cast %parallel_loop3A_215 : i32 to index
        %parallel_loop3A_224 = tpu.vector_load %arg6[%parallel_loop3A_223] {strides = array<i32>} : memref<62528xi32, #tpu.memory_space<vmem>>, vector<16xi32>,
        tpu.vector_store %arg6[%parallel_loop3A_223], %parallel_loop3A_222 {strides = array<i32>} : memref<62528xi32, #tpu.memory_space<vmem>>, vector<16xi32>,
      } {sc.loop_unroll_factor = 5 : i64, sc.parallel_access}
      %dma_wait3A_143 = arith.constant 0 : i32
      %dma_wait3A_144 = tpu.memref_slice %arg4[%dma_wait3A_143] : memref<10000xi32, #tpu.memory_space<vmem>> -> memref<4960xi32, #tpu.memory_space<vmem>>
      %dma_wait3A_145 = arith.constant 0 : i32
      %dma_wait3A_146 = tpu.memref_slice %arg7[%dma_wait3A_145] : memref<524288xi32, #tpu.memory_space<vmem_shared>> -> memref<4960xi32, #tpu.memory_space<vmem_shared>>
      %dma_wait3A_147 = arith.constant 0 : i32
      %dma_wait3A_148 = tpu.memref_slice %arg4[%dma_wait3A_147] : memref<10000xi32, #tpu.memory_space<vmem>> -> memref<4960xi32, #tpu.memory_space<vmem>>
      %dma_wait3A_149 = arith.constant 0 : i32
      %dma_wait3A_150 = tpu.memref_slice %arg7[%dma_wait3A_149] : memref<524288xi32, #tpu.memory_space<vmem_shared>> -> memref<4960xi32, #tpu.memory_space<vmem_shared>>
      tpu.wait_dma2 semaphore(%arg8 : memref<!tpu.dma_semaphore, #tpu.memory_space<semaphore_mem>>) src(%dma_wait3A_150 : memref<4960xi32, #tpu.memory_space<vmem_shared>>) dst(%dma_wait3A_148 : memref<4960xi32, #tpu.memory_space<vmem>>)
      %add3A_151 = arith.constant 14880 : i32
      %add3A_152 = arith.addi %mul3A_98, %add3A_151 : i32
      %dma_start3A_153 = arith.constant 0 : i32
      %dma_start3A_154 = tpu.memref_slice %arg5[%dma_start3A_153] : memref<10000xi32, #tpu.memory_space<vmem>> -> memref<4960xi32, #tpu.memory_space<vmem>>
      %dma_start3A_155 = tpu.memref_slice %arg7[%add3A_152] : memref<524288xi32, #tpu.memory_space<vmem_shared>> -> memref<4960xi32, #tpu.memory_space<vmem_shared>>
      %dma_start3A_156 = arith.constant 0 : i32
      %dma_start3A_157 = tpu.memref_slice %arg5[%dma_start3A_156] : memref<10000xi32, #tpu.memory_space<vmem>> -> memref<4960xi32, #tpu.memory_space<vmem>>
      %dma_start3A_158 = tpu.memref_slice %arg7[%add3A_152] : memref<524288xi32, #tpu.memory_space<vmem_shared>> -> memref<4960xi32, #tpu.memory_space<vmem_shared>>
      tpu.enqueue_dma source(%dma_start3A_158 : memref<4960xi32, #tpu.memory_space<vmem_shared>>) target(%dma_start3A_157 : memref<4960xi32, #tpu.memory_space<vmem>>) target_semaphore(%arg9 : memref<!tpu.dma_semaphore, #tpu.memory_space<semaphore_mem>>)
      %parallel_loop3A_159 = arith.constant 0 : i32
      %parallel_loop3A_160 = arith.constant 310 : i32
      %parallel_loop3A_161 = arith.constant 1 : i32
      scf.for %parallel_loop3A_211 = %parallel_loop3A_159 to %parallel_loop3A_160 step %parallel_loop3A_161  : i32 {
        %parallel_loop3A_212 = arith.constant 16 : i32
        %parallel_loop3A_213 = arith.muli %parallel_loop3A_211, %parallel_loop3A_212 : i32
        %parallel_loop3A_214 = arith.constant 42688 : i32
        %parallel_loop3A_215 = arith.addi %parallel_loop3A_214, %parallel_loop3A_213 : i32
        %parallel_loop3A_216 = arith.index_cast %parallel_loop3A_215 : i32 to index
        %parallel_loop3A_217 = tpu.vector_load %arg6[%parallel_loop3A_216] {strides = array<i32>} : memref<62528xi32, #tpu.memory_space<vmem>>, vector<16xi32>,
        %parallel_loop3A_218 = arith.constant 16 : i32
        %parallel_loop3A_219 = arith.muli %parallel_loop3A_211, %parallel_loop3A_218 : i32
        %parallel_loop3A_220 = arith.index_cast %parallel_loop3A_219 : i32 to index
        %parallel_loop3A_221 = tpu.vector_load %arg4[%parallel_loop3A_220] {strides = array<i32>} : memref<10000xi32, #tpu.memory_space<vmem>>, vector<16xi32>,
        %parallel_loop3A_222 = arith.maxsi %parallel_loop3A_217, %parallel_loop3A_221 : vector<16xi32>
        %parallel_loop3A_223 = arith.index_cast %parallel_loop3A_215 : i32 to index
        %parallel_loop3A_224 = tpu.vector_load %arg6[%parallel_loop3A_223] {strides = array<i32>} : memref<62528xi32, #tpu.memory_space<vmem>>, vector<16xi32>,
        tpu.vector_store %arg6[%parallel_loop3A_223], %parallel_loop3A_222 {strides = array<i32>} : memref<62528xi32, #tpu.memory_space<vmem>>, vector<16xi32>,
      } {sc.loop_unroll_factor = 5 : i64, sc.parallel_access}
      %dma_wait3A_162 = arith.constant 0 : i32
      %dma_wait3A_163 = tpu.memref_slice %arg5[%dma_wait3A_162] : memref<10000xi32, #tpu.memory_space<vmem>> -> memref<4960xi32, #tpu.memory_space<vmem>>
      %dma_wait3A_164 = arith.constant 0 : i32
      %dma_wait3A_165 = tpu.memref_slice %arg7[%dma_wait3A_164] : memref<524288xi32, #tpu.memory_space<vmem_shared>> -> memref<4960xi32, #tpu.memory_space<vmem_shared>>
      %dma_wait3A_166 = arith.constant 0 : i32
      %dma_wait3A_167 = tpu.memref_slice %arg5[%dma_wait3A_166] : memref<10000xi32, #tpu.memory_space<vmem>> -> memref<4960xi32, #tpu.memory_space<vmem>>
      %dma_wait3A_168 = arith.constant 0 : i32
      %dma_wait3A_169 = tpu.memref_slice %arg7[%dma_wait3A_168] : memref<524288xi32, #tpu.memory_space<vmem_shared>> -> memref<4960xi32, #tpu.memory_space<vmem_shared>>
      tpu.wait_dma2 semaphore(%arg9 : memref<!tpu.dma_semaphore, #tpu.memory_space<semaphore_mem>>) src(%dma_wait3A_169 : memref<4960xi32, #tpu.memory_space<vmem_shared>>) dst(%dma_wait3A_167 : memref<4960xi32, #tpu.memory_space<vmem>>)
      %add3A_170 = arith.constant 19840 : i32
      %add3A_171 = arith.addi %mul3A_98, %add3A_170 : i32
      %dma_start3A_172 = arith.constant 0 : i32
      %dma_start3A_173 = tpu.memref_slice %arg4[%dma_start3A_172] : memref<10000xi32, #tpu.memory_space<vmem>> -> memref<4960xi32, #tpu.memory_space<vmem>>
      %dma_start3A_174 = tpu.memref_slice %arg7[%add3A_171] : memref<524288xi32, #tpu.memory_space<vmem_shared>> -> memref<4960xi32, #tpu.memory_space<vmem_shared>>
      %dma_start3A_175 = arith.constant 0 : i32
      %dma_start3A_176 = tpu.memref_slice %arg4[%dma_start3A_175] : memref<10000xi32, #tpu.memory_space<vmem>> -> memref<4960xi32, #tpu.memory_space<vmem>>
      %dma_start3A_177 = tpu.memref_slice %arg7[%add3A_171] : memref<524288xi32, #tpu.memory_space<vmem_shared>> -> memref<4960xi32, #tpu.memory_space<vmem_shared>>
      tpu.enqueue_dma source(%dma_start3A_177 : memref<4960xi32, #tpu.memory_space<vmem_shared>>) target(%dma_start3A_176 : memref<4960xi32, #tpu.memory_space<vmem>>) target_semaphore(%arg8 : memref<!tpu.dma_semaphore, #tpu.memory_space<semaphore_mem>>)
      %parallel_loop3A_178 = arith.constant 0 : i32
      %parallel_loop3A_179 = arith.constant 310 : i32
      %parallel_loop3A_180 = arith.constant 1 : i32
      scf.for %parallel_loop3A_211 = %parallel_loop3A_178 to %parallel_loop3A_179 step %parallel_loop3A_180  : i32 {
        %parallel_loop3A_212 = arith.constant 16 : i32
        %parallel_loop3A_213 = arith.muli %parallel_loop3A_211, %parallel_loop3A_212 : i32
        %parallel_loop3A_214 = arith.constant 47648 : i32
        %parallel_loop3A_215 = arith.addi %parallel_loop3A_214, %parallel_loop3A_213 : i32
        %parallel_loop3A_216 = arith.index_cast %parallel_loop3A_215 : i32 to index
        %parallel_loop3A_217 = tpu.vector_load %arg6[%parallel_loop3A_216] {strides = array<i32>} : memref<62528xi32, #tpu.memory_space<vmem>>, vector<16xi32>,
        %parallel_loop3A_218 = arith.constant 16 : i32
        %parallel_loop3A_219 = arith.muli %parallel_loop3A_211, %parallel_loop3A_218 : i32
        %parallel_loop3A_220 = arith.index_cast %parallel_loop3A_219 : i32 to index
        %parallel_loop3A_221 = tpu.vector_load %arg5[%parallel_loop3A_220] {strides = array<i32>} : memref<10000xi32, #tpu.memory_space<vmem>>, vector<16xi32>,
        %parallel_loop3A_222 = arith.maxsi %parallel_loop3A_217, %parallel_loop3A_221 : vector<16xi32>
        %parallel_loop3A_223 = arith.index_cast %parallel_loop3A_215 : i32 to index
        %parallel_loop3A_224 = tpu.vector_load %arg6[%parallel_loop3A_223] {strides = array<i32>} : memref<62528xi32, #tpu.memory_space<vmem>>, vector<16xi32>,
        tpu.vector_store %arg6[%parallel_loop3A_223], %parallel_loop3A_222 {strides = array<i32>} : memref<62528xi32, #tpu.memory_space<vmem>>, vector<16xi32>,
      } {sc.loop_unroll_factor = 5 : i64, sc.parallel_access}
      %dma_wait3A_181 = arith.constant 0 : i32
      %dma_wait3A_182 = tpu.memref_slice %arg4[%dma_wait3A_181] : memref<10000xi32, #tpu.memory_space<vmem>> -> memref<4960xi32, #tpu.memory_space<vmem>>
      %dma_wait3A_183 = arith.constant 0 : i32
      %dma_wait3A_184 = tpu.memref_slice %arg7[%dma_wait3A_183] : memref<524288xi32, #tpu.memory_space<vmem_shared>> -> memref<4960xi32, #tpu.memory_space<vmem_shared>>
      %dma_wait3A_185 = arith.constant 0 : i32
      %dma_wait3A_186 = tpu.memref_slice %arg4[%dma_wait3A_185] : memref<10000xi32, #tpu.memory_space<vmem>> -> memref<4960xi32, #tpu.memory_space<vmem>>
      %dma_wait3A_187 = arith.constant 0 : i32
      %dma_wait3A_188 = tpu.memref_slice %arg7[%dma_wait3A_187] : memref<524288xi32, #tpu.memory_space<vmem_shared>> -> memref<4960xi32, #tpu.memory_space<vmem_shared>>
      tpu.wait_dma2 semaphore(%arg8 : memref<!tpu.dma_semaphore, #tpu.memory_space<semaphore_mem>>) src(%dma_wait3A_188 : memref<4960xi32, #tpu.memory_space<vmem_shared>>) dst(%dma_wait3A_186 : memref<4960xi32, #tpu.memory_space<vmem>>)
      %add3A_189 = arith.constant 24800 : i32
      %add3A_190 = arith.addi %mul3A_98, %add3A_189 : i32
      %dma_start3A_191 = arith.constant 0 : i32
      %dma_start3A_192 = tpu.memref_slice %arg5[%dma_start3A_191] : memref<10000xi32, #tpu.memory_space<vmem>> -> memref<4960xi32, #tpu.memory_space<vmem>>
      %dma_start3A_193 = tpu.memref_slice %arg7[%add3A_190] : memref<524288xi32, #tpu.memory_space<vmem_shared>> -> memref<4960xi32, #tpu.memory_space<vmem_shared>>
      %dma_start3A_194 = arith.constant 0 : i32
      %dma_start3A_195 = tpu.memref_slice %arg5[%dma_start3A_194] : memref<10000xi32, #tpu.memory_space<vmem>> -> memref<4960xi32, #tpu.memory_space<vmem>>
      %dma_start3A_196 = tpu.memref_slice %arg7[%add3A_190] : memref<524288xi32, #tpu.memory_space<vmem_shared>> -> memref<4960xi32, #tpu.memory_space<vmem_shared>>
      tpu.enqueue_dma source(%dma_start3A_196 : memref<4960xi32, #tpu.memory_space<vmem_shared>>) target(%dma_start3A_195 : memref<4960xi32, #tpu.memory_space<vmem>>) target_semaphore(%arg9 : memref<!tpu.dma_semaphore, #tpu.memory_space<semaphore_mem>>)
      %parallel_loop3A_197 = arith.constant 0 : i32
      %parallel_loop3A_198 = arith.constant 310 : i32
      %parallel_loop3A_199 = arith.constant 1 : i32
      scf.for %parallel_loop3A_211 = %parallel_loop3A_197 to %parallel_loop3A_198 step %parallel_loop3A_199  : i32 {
        %parallel_loop3A_212 = arith.constant 16 : i32
        %parallel_loop3A_213 = arith.muli %parallel_loop3A_211, %parallel_loop3A_212 : i32
        %parallel_loop3A_214 = arith.constant 52608 : i32
        %parallel_loop3A_215 = arith.addi %parallel_loop3A_214, %parallel_loop3A_213 : i32
        %parallel_loop3A_216 = arith.index_cast %parallel_loop3A_215 : i32 to index
        %parallel_loop3A_217 = tpu.vector_load %arg6[%parallel_loop3A_216] {strides = array<i32>} : memref<62528xi32, #tpu.memory_space<vmem>>, vector<16xi32>,
        %parallel_loop3A_218 = arith.constant 16 : i32
        %parallel_loop3A_219 = arith.muli %parallel_loop3A_211, %parallel_loop3A_218 : i32
        %parallel_loop3A_220 = arith.index_cast %parallel_loop3A_219 : i32 to index
        %parallel_loop3A_221 = tpu.vector_load %arg4[%parallel_loop3A_220] {strides = array<i32>} : memref<10000xi32, #tpu.memory_space<vmem>>, vector<16xi32>,
        %parallel_loop3A_222 = arith.maxsi %parallel_loop3A_217, %parallel_loop3A_221 : vector<16xi32>
        %parallel_loop3A_223 = arith.index_cast %parallel_loop3A_215 : i32 to index
        %parallel_loop3A_224 = tpu.vector_load %arg6[%parallel_loop3A_223] {strides = array<i32>} : memref<62528xi32, #tpu.memory_space<vmem>>, vector<16xi32>,
        tpu.vector_store %arg6[%parallel_loop3A_223], %parallel_loop3A_222 {strides = array<i32>} : memref<62528xi32, #tpu.memory_space<vmem>>, vector<16xi32>,
      } {sc.loop_unroll_factor = 5 : i64, sc.parallel_access}
      %dma_wait3A_200 = arith.constant 0 : i32
      %dma_wait3A_201 = tpu.memref_slice %arg5[%dma_wait3A_200] : memref<10000xi32, #tpu.memory_space<vmem>> -> memref<4960xi32, #tpu.memory_space<vmem>>
      %dma_wait3A_202 = arith.constant 0 : i32
      %dma_wait3A_203 = tpu.memref_slice %arg7[%dma_wait3A_202] : memref<524288xi32, #tpu.memory_space<vmem_shared>> -> memref<4960xi32, #tpu.memory_space<vmem_shared>>
      %dma_wait3A_204 = arith.constant 0 : i32
      %dma_wait3A_205 = tpu.memref_slice %arg5[%dma_wait3A_204] : memref<10000xi32, #tpu.memory_space<vmem>> -> memref<4960xi32, #tpu.memory_space<vmem>>
      %dma_wait3A_206 = arith.constant 0 : i32
      %dma_wait3A_207 = tpu.memref_slice %arg7[%dma_wait3A_206] : memref<524288xi32, #tpu.memory_space<vmem_shared>> -> memref<4960xi32, #tpu.memory_space<vmem_shared>>
      tpu.wait_dma2 semaphore(%arg9 : memref<!tpu.dma_semaphore, #tpu.memory_space<semaphore_mem>>) src(%dma_wait3A_207 : memref<4960xi32, #tpu.memory_space<vmem_shared>>) dst(%dma_wait3A_205 : memref<4960xi32, #tpu.memory_space<vmem>>)
      %parallel_loop3A_208 = arith.constant 0 : i32
      %parallel_loop3A_209 = arith.constant 310 : i32
      %parallel_loop3A_210 = arith.constant 1 : i32
      scf.for %parallel_loop3A_211 = %parallel_loop3A_208 to %parallel_loop3A_209 step %parallel_loop3A_210  : i32 {
        %parallel_loop3A_212 = arith.constant 16 : i32
        %parallel_loop3A_213 = arith.muli %parallel_loop3A_211, %parallel_loop3A_212 : i32
        %parallel_loop3A_214 = arith.constant 57568 : i32
        %parallel_loop3A_215 = arith.addi %parallel_loop3A_214, %parallel_loop3A_213 : i32
        %parallel_loop3A_216 = arith.index_cast %parallel_loop3A_215 : i32 to index
        %parallel_loop3A_217 = tpu.vector_load %arg6[%parallel_loop3A_216] {strides = array<i32>} : memref<62528xi32, #tpu.memory_space<vmem>>, vector<16xi32>,
        %parallel_loop3A_218 = arith.constant 16 : i32
        %parallel_loop3A_219 = arith.muli %parallel_loop3A_211, %parallel_loop3A_218 : i32
        %parallel_loop3A_220 = arith.index_cast %parallel_loop3A_219 : i32 to index
        %parallel_loop3A_221 = tpu.vector_load %arg5[%parallel_loop3A_220] {strides = array<i32>} : memref<10000xi32, #tpu.memory_space<vmem>>, vector<16xi32>,
        %parallel_loop3A_222 = arith.maxsi %parallel_loop3A_217, %parallel_loop3A_221 : vector<16xi32>
        %parallel_loop3A_223 = arith.index_cast %parallel_loop3A_215 : i32 to index
        %parallel_loop3A_224 = tpu.vector_load %arg6[%parallel_loop3A_223] {strides = array<i32>} : memref<62528xi32, #tpu.memory_space<vmem>>, vector<16xi32>,
        tpu.vector_store %arg6[%parallel_loop3A_223], %parallel_loop3A_222 {strides = array<i32>} : memref<62528xi32, #tpu.memory_space<vmem>>, vector<16xi32>,
      } {sc.loop_unroll_factor = 5 : i64, sc.parallel_access}
      "tpu.region"() ({
        %run_scoped3A = tpu.sem_alloc : memref<!tpu.dma_semaphore, #tpu.memory_space<semaphore_mem>>
        %dma_start3A_211 = arith.constant 32768 : i32
        %dma_start3A_212 = tpu.memref_slice %arg6[%dma_start3A_211] : memref<62528xi32, #tpu.memory_space<vmem>> -> memref<29732xi32, #tpu.memory_space<vmem>>
        %dma_start3A_213 = arith.constant 32768 : i32
        %dma_start3A_214 = tpu.memref_slice %arg3[%select_n3A_30, %dma_start3A_213] : memref<16x62500xi32, #tpu.memory_space<hbm>> -> memref<1x29732xi32, #tpu.memory_space<hbm>>
        %dma_start3A_215 = tpu.memref_squeeze %dma_start3A_214 : memref<1x29732xi32, #tpu.memory_space<hbm>> -> memref<29732xi32, #tpu.memory_space<hbm>>
        %dma_start3A_216 = arith.constant 32768 : i32
        %dma_start3A_217 = tpu.memref_slice %arg3[%select_n3A_30, %dma_start3A_216] : memref<16x62500xi32, #tpu.memory_space<hbm>> -> memref<1x29732xi32, #tpu.memory_space<hbm>>
        %dma_start3A_218 = tpu.memref_squeeze %dma_start3A_217 : memref<1x29732xi32, #tpu.memory_space<hbm>> -> memref<29732xi32, #tpu.memory_space<hbm>>
        %dma_start3A_219 = arith.constant 32768 : i32
        %dma_start3A_220 = tpu.memref_slice %arg6[%dma_start3A_219] : memref<62528xi32, #tpu.memory_space<vmem>> -> memref<29732xi32, #tpu.memory_space<vmem>>
        tpu.enqueue_dma source(%dma_start3A_220 : memref<29732xi32, #tpu.memory_space<vmem>>) target(%dma_start3A_218 : memref<29732xi32, #tpu.memory_space<hbm>>) target_semaphore(%run_scoped3A : memref<!tpu.dma_semaphore, #tpu.memory_space<semaphore_mem>>)
        %dma_wait3A_221 = arith.constant 32768 : i32
        %dma_wait3A_222 = tpu.memref_slice %arg6[%dma_wait3A_221] : memref<62528xi32, #tpu.memory_space<vmem>> -> memref<29732xi32, #tpu.memory_space<vmem>>
        %dma_wait3A_223 = arith.constant 32768 : i32
        %dma_wait3A_224 = tpu.memref_slice %arg3[%select_n3A_30, %dma_wait3A_223] : memref<16x62500xi32, #tpu.memory_space<hbm>> -> memref<1x29732xi32, #tpu.memory_space<hbm>>
        %dma_wait3A_225 = tpu.memref_squeeze %dma_wait3A_224 : memref<1x29732xi32, #tpu.memory_space<hbm>> -> memref<29732xi32, #tpu.memory_space<hbm>>
        %dma_wait3A_226 = arith.constant 32768 : i32
        %dma_wait3A_227 = tpu.memref_slice %arg3[%select_n3A_30, %dma_wait3A_226] : memref<16x62500xi32, #tpu.memory_space<hbm>> -> memref<1x29732xi32, #tpu.memory_space<hbm>>
        %dma_wait3A_228 = tpu.memref_squeeze %dma_wait3A_227 : memref<1x29732xi32, #tpu.memory_space<hbm>> -> memref<29732xi32, #tpu.memory_space<hbm>>
        %dma_wait3A_229 = arith.constant 32768 : i32
        %dma_wait3A_230 = tpu.memref_slice %arg6[%dma_wait3A_229] : memref<62528xi32, #tpu.memory_space<vmem>> -> memref<29732xi32, #tpu.memory_space<vmem>>
        tpu.wait_dma2 semaphore(%run_scoped3A : memref<!tpu.dma_semaphore, #tpu.memory_space<semaphore_mem>>) src(%dma_wait3A_230 : memref<29732xi32, #tpu.memory_space<vmem>>) dst(%dma_wait3A_228 : memref<29732xi32, #tpu.memory_space<hbm>>)
        tpu.yield
      }) : () -> ()
    } else {
    }
    return
  }
}

</mosaic_0001>

<sc_bundles>
// kernel: kernel.3.cloned.1.call-start
scs
__scs_entry_jumppad:
0x0: {  	(pc) =	sbr.rel $0x88, $3  }
0x1: {  	(tag) =	ssettag $0x0;
	lr =	simm.s32 $0x1  }
0x2: {  	[smem:$0x3FA0] =	sst lr;
	_ =	strace $0xD0000000  }
0x3: {  	_ = 	snop  }
0x4: {  	_ = 	snop  }
0x5: {  	_ = 	snop  }
0x6: {  	_ = 	snop  }
0x7: {  	_ = 	snop  }
__scs_overlays_trampoline_lowered:
0x8: {  	[smem:$0x3FAF] =	sst s0  }
0x9: {  	[smem:$0x3FB0] =	sst s1  }
0xa: {  	[smem:$0x3FB1] =	sst s2  }
0xb: {  	[smem:$0x3FB2] =	sst s3  }
0xc: {  	[smem:$0x3FB3] =	sst s4  }
0xd: {  	[smem:$0x3FB4] =	sst s5  }
0xe: {  	[smem:$0x3FB5] =	sst s6  }
0xf: {  	[smem:$0x3FB6] =	sst s7  }
0x10: {  	[smem:$0x3FB7] =	sst s8  }
0x11: {  	[smem:$0x3FB8] =	sst s9;
	s0 =	simm.s32 @!p0 $0x0  }
0x12: {  	s1 =	sld [smem:$0x3F9E];
	s0 =	simm.s32 @p0 $0x1  }
0x13: {  	[smem:$0x3FB9] =	sst s0;
	s0 =	simm.s32 @!p1 $0x0  }
0x14: {  	s2 =	sld [smem:$0x3F9D];
	s0 =	simm.s32 @p1 $0x1  }
0x15: {  	[smem:$0x3FBA] =	sst s0;
	s0 =	simm.s32 @!p2 $0x0  }
0x16: {  	s3 =	sld [smem:$0x3FDB];
	s0 =	simm.s32 @p2 $0x1  }
0x17: {  	s4 =	simm.s32 $0x1BF5;
	[smem:$0x3FBC] =	sst s0  }
0x18: {  	s0 =	sld [smem:$0x3F9F];
	_ =	swait.ge [sflag:s4], $0x0  }
0x19: {  	s7 =	sld [smem:$0x3FA0]  }
0x1a: {  	s8 =	sadd.s32 $0xFFFFE003, lr  }
0x1b: {  	s9 =	sadd.s32 $0xFFFFFEF7, lr;
	s5 =	simm.s32 $0xFFFFFFFF;
	p2 =	slt.u32 s8, $0xFFFFF086  }
0x1c: {  	p1 =	slt.u32 s9, $0xF7A;
	s5 =	simm.s32 @!p2 $0x0  }
0x1d: {  	s5 =	simm.s32 @p1 $0x1;
	p0 =	seq.s32 s7, s2  }
0x1e: {  	s7 =	smul.u32 @!p0 $0xF7A, s2;
	p2 =	seq.s32 @!p0 s5, $0x0  }
0x1f: {  	s9 =	smul.u32 $0xF7A, s1;
	s8 =	simm.s32 @!p0 $0x1BF5;
	p2 =	por !p2, p0  }
0x20: {  	[sflag:s8] =	ssyncset.s32 @!p0 $0xFFFFF086;
	s6 =	sadd.s32 @!p0 s3, s7;
	s7 =	simm.s32 @!p0 $0x108  }
0x21: {  	s3 =	sadd.s32 s3, s9;
	s6 =	sadd.s32 @!p0 $0x88, s6;
	s7 =	simm.s32 @p2 $0x1082  }
0x22: {  	[simem:s7], [sflag:s8] =	dma.local @!p0 [hbm:s6], $0xF7A  }
0x23: {  	s9 =	sor.u32 $0xD0000000, s2;
	s6 =	simm.s32 $0x108;
	_ =	swait.ge @!p0 [sflag:s8], $0x0  }
0x24: {  	s3 =	sadd.s32 $0x88, s3;
	s6 =	simm.s32 @!p1 $0x1082;
	[sflag:s4] =	ssyncset.s32 $0xFFFFF086  }
0x25: {  	[simem:s6], [sflag:s4] =	dma.local [hbm:s3], $0xF7A  }
0x26: {  	[smem:$0x3FA0] =	sst s1;
	(tag) =	ssettag s2;
	_ =	strace s9  }
0x27: {  	s1 =	sld [smem:$0x3FB0]  }
0x28: {  	s2 =	sld [smem:$0x3FB1]  }
0x29: {  	s4 =	sld [smem:$0x3FB3]  }
0x2a: {  	p0 =	seq.s32 s5, $0x0;
	s5 =	sld [smem:$0x3FB4]  }
0x2b: {  	s6 =	sld [smem:$0x3FB5]  }
0x2c: {  	s7 =	sld [smem:$0x3FB6]  }
0x2d: {  	s3 =	simm.s32 $0x108;
	s8 =	sld [smem:$0x3FB7]  }
0x2e: {  	s3 =	simm.s32 @!p0 $0x1082;
	s9 =	sld [smem:$0x3FB8]  }
0x2f: {  	lr =	sadd.s32 s0, s3;
	s0 =	sld [smem:$0x3FAF]  }
0x30: {  	s3 =	sld [smem:$0x3FB2]  }
0x31: {  	[smem:$0x3FBB] =	sst s10  }
0x32: {  	s10 =	sld [smem:$0x3FB9];
	_ =	sdelay $0x3  }
0x33: {  	p0 =	seq.s32 s10, $0x1;
	s10 =	sld [smem:$0x3FBB];
	_ =	sdelay $0x3  }
0x34: {  	[smem:$0x3FBB] =	sst s10  }
0x35: {  	s10 =	sld [smem:$0x3FBA];
	_ =	sdelay $0x3  }
0x36: {  	p1 =	seq.s32 s10, $0x1;
	s10 =	sld [smem:$0x3FBB];
	_ =	sdelay $0x3  }
0x37: {  	[smem:$0x3FBB] =	sst s10  }
0x38: {  	s10 =	sld [smem:$0x3FBC]  }
0x39: {  	_ = 	snop;
	(pc) =	sbr.ind lr, $3  }
0x3a: {  	_ = 	snop  }
0x3b: {  	_ = 	snop  }
0x3c: {  	p2 =	seq.s32 s10, $0x1;
	s10 =	sld [smem:$0x3FBB]  }
0x3d: {  	_ =	shalt  }
0x3e: {  	_ =	shalt  }
0x3f: {  	_ =	shalt  }
0x40: {  	_ =	shalt  }
0x41: {  	_ =	shalt  }
0x42: {  	_ =	shalt  }
0x43: {  	_ =	shalt  }
0x44: {  	_ =	shalt  }
0x45: {  	_ =	shalt  }
0x46: {  	_ =	shalt  }
0x47: {  	_ =	shalt  }
0x48: {  	_ =	shalt  }
0x49: {  	_ =	shalt  }
0x4a: {  	_ =	shalt  }
0x4b: {  	_ =	shalt  }
0x4c: {  	_ =	shalt  }
0x4d: {  	_ =	shalt  }
0x4e: {  	_ =	shalt  }
0x4f: {  	_ =	shalt  }
0x50: {  	_ =	shalt  }
0x51: {  	_ =	shalt  }
0x52: {  	_ =	shalt  }
0x53: {  	_ =	shalt  }
0x54: {  	_ =	shalt  }
0x55: {  	_ =	shalt  }
0x56: {  	_ =	shalt  }
0x57: {  	_ =	shalt  }
0x58: {  	_ =	shalt  }
0x59: {  	_ =	shalt  }
0x5a: {  	_ =	shalt  }
0x5b: {  	_ =	shalt  }
0x5c: {  	_ =	shalt  }
0x5d: {  	_ =	shalt  }
0x5e: {  	_ =	shalt  }
0x5f: {  	_ =	shalt  }
0x60: {  	_ =	shalt  }
0x61: {  	_ =	shalt  }
0x62: {  	_ =	shalt  }
0x63: {  	_ =	shalt  }
0x64: {  	_ =	shalt  }
0x65: {  	_ =	shalt  }
0x66: {  	_ =	shalt  }
0x67: {  	_ =	shalt  }
0x68: {  	_ =	shalt  }
0x69: {  	_ =	shalt  }
0x6a: {  	_ =	shalt  }
0x6b: {  	_ =	shalt  }
0x6c: {  	_ =	shalt  }
0x6d: {  	_ =	shalt  }
0x6e: {  	_ =	shalt  }
0x6f: {  	_ =	shalt  }
0x70: {  	_ =	shalt  }
0x71: {  	_ =	shalt  }
0x72: {  	_ =	shalt  }
0x73: {  	_ =	shalt  }
0x74: {  	_ =	shalt  }
0x75: {  	_ =	shalt  }
0x76: {  	_ =	shalt  }
0x77: {  	_ =	shalt  }
0x78: {  	_ =	shalt  }
0x79: {  	_ =	shalt  }
0x7a: {  	_ =	shalt  }
0x7b: {  	_ =	shalt  }
0x7c: {  	_ =	shalt  }
0x7d: {  	_ =	shalt  }
0x7e: {  	_ =	shalt  }
0x7f: {  	_ =	shalt  }
0x80: {  	_ =	shalt  }
0x81: {  	_ =	shalt  }
0x82: {  	_ =	shalt  }
0x83: {  	_ =	shalt  }
0x84: {  	_ =	shalt  }
0x85: {  	_ =	shalt  }
0x86: {  	_ =	shalt  }
0x87: {  	_ =	shalt  }
.Lfunc_end0:
.L_simem_size_0:
called_computation_lowered:
.L_overlay_start_0:
0x88: {  	s2 =	sld [smem:$0x3FD9]  }
0x89: {  	s3 =	sld [smem:$0x3FFE];
	_ =	sdelay $0x1  }
0x8a: {  	s1 =	srdreg.scid  }
0x8b: {  	s0 =	sand.u32 $0x1, s1  }
0x8c: {  	s18 =	sshll.u32 s0, $0xA;
	s2 =	sadd.s32 s3, s2  }
0x8d: {  	s2 =	sadd.s32 s2, s18  }
0x8e: {  	[smem:$0x3FC7] =	sst s2  }
0x8f: {  	_ = 	snop  }
0x90: {  	s2 =	sld [smem:$0x3FC9]  }
0x91: {  	s19 =	sld [smem:$0x3FD0];
	(tm) =	ssettm $0x1  }
0x92: {  	s4 =	sld [smem:$0x3FFB];
	_ =	sdelay $0x3  }
0x93: {  	_ =	strace s4  }
0x94: {  	s4 =	sld [smem:$0x3FFC];
	_ =	sdelay $0x3  }
0x95: {  	_ =	strace s4  }
0x96: {  	s4 =	sld [smem:$0x3FFD];
	_ =	sdelay $0x3  }
0x97: {  	_ =	strace s4  }
0x98: {  	_ =	strace $0x8FFFFFFF  }
0x99: {  	s20 =	sld [smem:$0x3FDB];
	_ =	sdelay $0x1  }
0x9a: {  	s5 =	simm.s32 $_scs_section_size  }
0x9b: {  	s6 =	simm.s32 $_size__tile_overlayer_lowered;
	s7 =	simm.s32 $_tile_overlayer_lowered  }
0x9c: {  	s23 =	simm.s32 $0x1BFF;
	s22 =	sshll.u32 s7, $0x1;
	s4 =	sadd.s32 s5, s20  }
0x9d: {  	s8 =	simm.s32 $0x0;
	s21 =	sshll.u32 s6, $0x1;
	s6 =	sadd.s32 s22, s4  }
0x9e: {  	[timem:s8], [sflag:s23] =	dma.local [hbm:s6], s21  }
0x9f: {  	_ =	swait.ge [sflag:s23], s21  }
0xa0: {  	s5 =	ssub.s32 $0x0, s21;
	[sflag:s23] =	ssyncset.done $0x0  }
0xa1: {  	[sflag:s23] =	ssyncadd.s32 s5;
	_ =	sdelay $0x1  }
0xa2: {  	s24 =	simm.s32 $0x1B8B  }
0xa3: {  	_ =	swait.ge [sflag:s24], $0x1  }
0xa4: {  	[sflag:s24] =	ssyncset.done $0x0  }
0xa5: {  	s25 =	simm.s32 $0x1B8E;
	[sflag:s24] =	ssyncadd.s32 $0xFFFFFFFF  }
0xa6: {  	s26 =	simm.s32 $execute0_lowered;
	[smem:$0x3FD2] =	sst s25  }
0xa7: {  	s5 =	sshll.u32 s26, $0x1;
	_ =	strace $0x80000046;
	[dreg:$0x1] =	wrdreg $0xFFFFFFFF  }
0xa8: {  	s28 =	simm.s32 $_size_execute0_lowered;
	s4 =	sadd.s32 s4, s5;
	[dreg:$0x0] =	wrdreg $0x0  }
0xa9: {  	s5 =	sshll.u32 s28, $0x1;
	[dreg:$0x2] =	wrdreg s4  }
0xaa: {  	[dreg:$0x3] =	wrdreg s5  }
0xab: {  	[dreg:$0x4] =	wrdreg $0xC0  }
0xac: {  	_ =	task [dreg:s8], $0x5FFFF  }
0xad: {  	[dreg:$0x1] =	wrdreg $0xFFFFFFFF  }
0xae: {  	[dreg:$0x0] =	wrdreg $0x60  }
0xaf: {  	[dreg:$0x2] =	wrdreg s2  }
0xb0: {  	[dreg:$0x3] =	wrdreg s19  }
0xb1: {  	[dreg:$0x4] =	wrdreg $0x142600  }
0xb2: {  	[dreg:$0x5] =	wrdreg $0x9  }
0xb3: {  	_ =	task.clear_ibuf [dreg:s8], $0x6FFFF;
	_ =	strace $0x90000046  }
0xb4: {  	s29 =	simm.s32 $0x9;
	_ =	strace $0x80000048  }
0xb5: {  	_ =	swait.ge [sflag:s29], $0x1  }
0xb6: {  	[sflag:s29] =	ssyncadd.s32 $0xFFFFFFFF  }
0xb7: {  	_ =	strace $0x90000048  }
0xb8: {  	_ =	sfence  }
0xb9: {  	s30 =	sld [smem:$0x0];
	_ =	sdelay $0x2  }
0xba: {  	s31 =	sshll.u32 s1, $0xD;
	s1 =	sshrl.u32 s1, $0x2  }
0xbb: {  	s3 =	sand.u32 $0x4000, s31;
	s1 =	sadd.s32 s1, s30  }
0xbc: {  	s0 =	sor.u32 s3, s0;
	s1 =	sshll.u32 s1, $0x11  }
0xbd: {  	s0 =	sor.u32 s1, s0  }
0xbe: {  	s0 =	sadd.s32 $0x8F2B, s0  }
0xbf: {  	[sflag:s0] =	ssyncadd.remote.s32 $0x1  }
0xc0: {  	_ =	sfence.sel $0xFFFF  }
0xc1: {  	[dreg:$0x0] =	wrdreg $0xFFFFFFFF;
	(pc) =	sbr.abs _section_cstart, $3  }
0xc2: {  	[dreg:$0x1] =	wrdreg $0xFFFFFFFF  }
0xc3: {  	_ =	task.clear_ibuf [dreg:s8], $0x2FFFF;
	_ =	strace $0x9FFFFFFF  }
0xc4: {  	(tm) =	ssettm $0x7FFFFFFF  }
0xc5: {  	_ =	shalt  }
tec
execute0_lowered:
.L_overlay_start_1:
0x0: {  	(tag) =	ssettag $0x1  }
0x1: {  	s6 =	rddreg [dreg:$0x0]  }
0x2: {  	s0 =	srdreg.scid;
	s7 =	rddreg [dreg:$0x1]  }
0x3: {  	s4 =	stileid.u32;
	s3 =	simm.s32 $0x1;
	s18 =	rddreg [dreg:$0x2]  }
0x4: {  	s19 =	simm.s32 $0x0;
	s0 =	sand.u32 $0x1, s0;
	s5 =	sand.u32 $0x1, s4  }
0x5: {  	[smem:$0x7FF] =	sst s19;
	s8 =	smul.u32 $0x7A10, s4;
	s22 =	sshll.u32 s4, $0x6  }
0x6: {  	s15 =	sadd.s32 $0x7A100, s18;
	s25 =	sadd.s32 $0xF420, s6;
	s28 =	sshll.u32 s4, $0xF  }
0x7: {  	s1 =	sshll.u32 s0, $0x4;
	p0 =	seq.s32 s5, $0x1;
	s13 =	smul.u32 $0x3D090, s5  }
0x8: {  	s0 =	ssub.s32 $0x2, s0;
	_ =	strace $0x80000047;
	s10 =	smul.u32 $0xF4240, s5  }
0x9: {  	s23 =	sor.u32 $0x1C01, s22;
	[dreg:$0x6] =	wrdreg s25;
	s2 =	sor.u32 s4, s1  }
0xa: {  	s20 =	sshrl.u32 s0, $0x1;
	s9 =	sshrl.u32 s8, $0x3;
	s14 =	sadd.s32 s8, s18  }
0xb: {  	[dreg:$0x5] =	wrdreg s23;
	p1 =	seq.s32 s2, $0x0;
	s21 =	sadd.s32 s6, s9  }
0xc: {  	s0 =	ssub.s32 s0, s20;
	s22 =	sadd.s32 $0x180, s13;
	[dreg:$0x4] =	wrdreg s21  }
0xd: {  	s24 =	sshrl.u32 s10, $0x2;
	s23 =	sadd.s32 $0x2890, s13;
	[dreg:$0x12] =	wrdreg s22  }
0xe: {  	s25 =	sshrl.u32 s14, $0x3;
	p0 =	por !p1, !p0;
	[dreg:$0x13] =	wrdreg s23  }
0xf: {  	s26 =	sadd.s32 s24, s18;
	s0 =	smax.u32 s0, $0x1;
	[dreg:$0x15] =	wrdreg s25  }
0x10: {  	s24 =	sadd.s32 $0x3AB00, s13;
	p0 =	por !p0, !p0;
	[dreg:$0x7] =	wrdreg s26  }
0x11: {  	[dreg:$0x11] =	wrdreg s0;
	s3 =	simm.s32 @!p0 $0x0;
	p0 =	sne.s32 s4, $0x0  }
0x12: {  	s2 =	sshrl.u32 s2, $0x1;
	[dreg:$0x14] =	wrdreg s24;
	s0 =	sshrl.u32 @!p0 s15, $0x3  }
0x13: {  	s11 =	ssub.s32 s2, s3;
	s2 =	sadd.s32 s28, s18;
	[dreg:$0x16] =	wrdreg s0  }
0x14: {  	s30 =	sadd.s32 $0xFFFF8000, s2;
	[dreg:$0x8] =	wrdreg s2  }
0x15: {  	s31 =	simm.s32 $0x4E20;
	s9 =	sadd.s32 $0xFFFF9360, s2;
	[dreg:$0x9] =	wrdreg s30  }
0x16: {  	s8 =	sadd.s32 $0x2710, s13;
	s16 =	sadd.s32 $0xFFFFA6C0, s2;
	[dreg:$0xa] =	wrdreg s9  }
0x17: {  	s10 =	sadd.s32 s13, s18;
	s17 =	sadd.s32 $0xFFFFBA20, s2;
	[dreg:$0xb] =	wrdreg s16  }
0x18: {  	p1 =	seq.s32 s5, $0x0;
	s18 =	sadd.s32 $0xFFFFCD80, s2;
	[dreg:$0xc] =	wrdreg s17  }
0x19: {  	s12 =	smul.u32 $0xF424, s11;
	s21 =	sadd.s32 $0xFFFFE0E0, s2;
	[dreg:$0xd] =	wrdreg s18  }
0x1a: {  	s29 =	smul.u32 $0xF428, s11;
	s26 =	sadd.s32 $0x8000, s2;
	[dreg:$0x10] =	wrdreg s21  }
0x1b: {  	s11 =	smul.u32 $0x1E85, s11;
	s28 =	sadd.s32 $0xA000, s2;
	[dreg:$0x17] =	wrdreg s26  }
.Ltmp0:
0x1c: {  	[dreg:$0x18] =	wrdreg s28;
	s30 =	sadd.s32 $0xE000, s2;
	(pc) =	sbr.rel .LBB2_1-.Ltmp0, $4  }
0x1d: {  	s6 =	sadd.s32 $0x8000, s29;
	s20 =	sadd.s32 s7, s11;
	[dreg:$0x1a] =	wrdreg s30  }
0x1e: {  	s29 =	sadd.s32 $0xC000, s2;
	s6 =	sshrl.u32 s6, $0x3;
	[dreg:$0xf] =	wrdreg s20  }
0x1f: {  	s3 =	simm.s32 $0x1;
	[dreg:$0x19] =	wrdreg s29;
	s19 =	sadd.s32 s7, s6  }
0x20: {  	v1 =	vimm.s32 $0x0;
	v2 =	vlaneseq.u32;
	s0 =	simm.s32 $0x2;
	v0 =	vmov s12;
	s2 =	simm.s32 $0x0;
	[dreg:$0xe] =	wrdreg s19  }
.LBB2_34:
0x21: {  	s2 =	sadd.s32 $0x1, s2;
	s1 =	rddreg [dreg:$0x11]  }
0x22: {  	p2 =	sne.s32 s2, s1  }
.Ltmp1:
0x23: {  	_ = 	snop;
	(pc) =	sbr.rel @!p2 .LBB2_35-.Ltmp1, $1  }
0x24: {  	_ =	sdelay $0x3  }
.LBB2_1:
0x25: {  	[dreg:$0x1b] =	wrdreg s2  }
0x26: {  	s1 =	rddreg [dreg:$0x4]  }
0x27: {  	s30 =	rddreg [dreg:$0x5]  }
0x28: {  	s4 =	rddreg [dreg:$0x15]  }
0x29: {  	[spmem:s4], [sflag:s30] =	dma.local [hbm:s1], $0xF42  }
0x2a: {  	s1 =	rddreg [dreg:$0x6]  }
0x2b: {  	s4 =	simm.s32 @!p0 $0x1C02;
	s2 =	rddreg [dreg:$0x16]  }
0x2c: {  	[spmem:s2], [sflag:s4] =	dma.local @!p0 [hbm:s1], $0x4  }
0x2d: {  	s4 =	simm.s32 $0x4E40  }
0x2e: {  	[tilespmem:s4+$0xFFFFFFE0] =	vst v1  }
0x2f: {  	[tilespmem:s4+$0x10] =	vst v1  }
0x30: {  	s5 =	simm.s32 $0x0;
	[tilespmem:s4+$0x0] =	vst v1  }
.LBB2_2:
0x31: {  	s5 =	sadd.s32 $0x4, s5  }
0x32: {  	[tilespmem:s4+$0xFFFFFFF0] =	vst v1;
	s4 =	sadd.s32 $0x40, s4;
	p2 =	slt.u32 s5, $0xF40  }
.Ltmp2:
0x33: {  	[tilespmem:s4+$0xFFFFFFE0] =	vst v1;
	(pc) =	sbr.rel @p2 .LBB2_2-.Ltmp2, $3  }
0x34: {  	_ =	sdelay $0x1  }
0x35: {  	[tilespmem:s4+$0x10] =	vst v1  }
0x36: {  	[tilespmem:s4+$0x0] =	vst v1  }
0x37: {  	[tilespmem:s4+$0xFFFFFFF0] =	vst v1  }
0x38: {  	_ =	swait.ge [sflag:s3], $0xF42  }
0x39: {  	[sflag:s3] =	ssyncset.done $0x0  }
0x3a: {  	s4 =	simm.s32 @!p0 $0x2;
	[sflag:s3] =	ssyncadd.s32 $0xFFFFF0BE  }
0x3b: {  	_ =	swait.ge @!p0 [sflag:s4], $0x4  }
0x3c: {  	[sflag:s4] =	ssyncset.done @!p0 $0x0  }
0x3d: {  	[sflag:s4] =	ssyncadd.s32 @!p0 $0xFFFFFFFC  }
0x3e: {  	[bflag:$0x0] =	sbarrier.arrive $0xFFFF  }
0x3f: {  	s1 =	rddreg [dreg:$0x7]  }
0x40: {  	s21 =	rddreg [dreg:$0x13]  }
0x41: {  	s13 =	simm.s32 $0x0;
	s15 =	rddreg [dreg:$0x12]  }
0x42: {  	[tilespmem:s13], [sflag:$0x1] =	stream.linear.gather [spmem:s1], $0x2710, $0x38;
	[tilespmem:$0x1C260] =	vst v63  }
.LBB2_4:
0x43: {  	_ =	swait.ge [sflag:s3], $0x2710  }
0x44: {  	s4 =	smul.u32 $0x4E20, s13;
	[sflag:s3] =	ssyncset.done $0x0  }
0x45: {  	[sflag:s3] =	ssyncadd.s32 $0xFFFFD8F0  }
0x46: {  	s4 =	sadd.s32 s4, s8;
	s1 =	rddreg [dreg:$0x2]  }
0x47: {  	s18 =	simm.s32 $0x2710;
	s17 =	simm.s32 $0xC0;
	s4 =	sadd.s32 s4, s1  }
0x48: {  	[tilespmem:s18], [sflag:$0x2] =	stream.linear.gather [spmem:s4], $0x2710, $0x38;
	[tilespmem:$0x1C260] =	vst v63  }
0x49: {  	v3 =	vld [tilespmem:s17+$0xC0]  }
0x4a: {  	v4 =	vld [tilespmem:s17+$0xFFFFFF50]  }
0x4b: {  	v5 =	vld [tilespmem:s17+$0xFFFFFF60]  }
0x4c: {  	v6 =	vld [tilespmem:s17+$0xFFFFFF70]  }
0x4d: {  	v7 =	vld [tilespmem:s17+$0xFFFFFF80]  }
0x4e: {  	v8 =	vld [tilespmem:s17+$0xFFFFFF90]  }
0x4f: {  	v10 =	vld [tilespmem:s17+$0xFFFFFFB0]  }
0x50: {  	v11 =	vld [tilespmem:s17+$0xFFFFFFC0]  }
0x51: {  	v13 =	vld [tilespmem:s17+$0xFFFFFFE0];
	v9 =	vsub.s32 v3, v0  }
0x52: {  	v3 =	vld [tilespmem:s17+$0xFFFFFFA0];
	v4 =	vsub.s32 v4, v0;
	vm2 =	vlt.u32 v9, $0xF424  }
0x53: {  	v15 =	vld [tilespmem:s17+$0xFFFFFFF0];
	v5 =	vsub.s32 v5, v0;
	vm3 =	vlt.u32 v4, $0xF424  }
0x54: {  	v16 =	vor.u32 s15, v2;
	v6 =	vsub.s32 v6, v0;
	vm4 =	vlt.u32 v5, $0xF424  }
0x55: {  	v12 =	vld [tilespmem:s17+$0xFFFFFFD0];
	v7 =	vsub.s32 v7, v0;
	v8 =	vsub.s32 v8, v0;
	vm5 =	vlt.u32 v6, $0xF424  }
0x56: {  	v10 =	vsub.s32 v10, v0;
	v11 =	vsub.s32 v11, v0;
	vm6 =	vlt.u32 v7, $0xF424  }
0x57: {  	s5 =	sadd.s32 $0xFFFFFE90, s15;
	v17 =	vld [tilespmem:s17+$0x0];
	v18 =	vsub.s32 v13, v0;
	vm0 =	vlt.u32 v8, $0xF424;
	v14 =	vsub.s32 v3, v0  }
0x58: {  	s19 =	sadd.s32 $0xFFFFFE80, s15;
	s20 =	sadd.s32 $0xFFFFFEA0, s15;
	v19 =	vsub.s32 v15, v0;
	vm1 =	vlt.u32 v14, $0xF424;
	[tilespmem:v9+s31+$0x0] =	vst.idx.msk vm2, v16;
	v9 =	vor.u32 s5, v2;
	v16 =	vld [tilespmem:s17+$0x10]  }
0x59: {  	s22 =	sadd.s32 $0xFFFFFEB0, s15;
	v13 =	vld [tilespmem:s17+$0x30];
	v3 =	vor.u32 s19, v2;
	vm2 =	vlt.u32 v10, $0xF424;
	[tilespmem:v4+s31+$0x0] =	vst.idx.msk vm3, v9;
	v4 =	vor.u32 s20, v2  }
0x5a: {  	s23 =	sadd.s32 $0xFFFFFEC0, s15;
	s24 =	sadd.s32 $0xFFFFFED0, s15;
	vm3 =	vlt.u32 v11, $0xF424;
	v9 =	vsub.s32 v12, v0;
	v12 =	vld [tilespmem:s17+$0x20];
	[tilespmem:v5+s31+$0x0] =	vst.idx.msk vm4, v4;
	v4 =	vor.u32 s22, v2  }
0x5b: {  	s25 =	sadd.s32 $0xFFFFFEE0, s15;
	v15 =	vld [tilespmem:s17+$0x40];
	vm4 =	vlt.u32 v9, $0xF424;
	v5 =	vor.u32 s24, v2;
	[tilespmem:v6+s31+$0x0] =	vst.idx.msk vm5, v4;
	v4 =	vor.u32 s23, v2  }
0x5c: {  	s30 =	sadd.s32 $0xFFFFFF00, s15;
	vm5 =	vlt.u32 v18, $0xF424;
	v6 =	vor.u32 s25, v2;
	[tilespmem:v7+s31+$0x0] =	vst.idx.msk vm6, v4;
	v4 =	vsub.s32 v17, v0;
	v17 =	vld [tilespmem:s17+$0x50]  }
0x5d: {  	s26 =	sadd.s32 $0xFFFFFEF0, s15;
	[tilespmem:v8+s31+$0x0] =	vst.idx.msk vm0, v5;
	v8 =	vor.u32 s30, v2;
	vm6 =	vlt.u32 v19, $0xF424;
	v5 =	vsub.s32 v16, v0;
	v16 =	vld [tilespmem:s17+$0x60]  }
0x5e: {  	s16 =	simm.s32 $0x0;
	s6 =	sadd.s32 $0xFFFFFF10, s15;
	s14 =	sadd.s32 $0xFFFFFF20, s15;
	v20 =	vld [tilespmem:s17+$0x70];
	v7 =	vor.u32 s26, v2;
	vm0 =	vlt.u32 v4, $0xF424;
	[tilespmem:v14+s31+$0x0] =	vst.idx.msk vm1, v6;
	vm1 =	vlt.u32 v5, $0xF424  }
0x5f: {  	s7 =	sadd.s32 $0xFFFFFF80, s15;
	s28 =	sadd.s32 $0xFFFFFFC0, s15;
	s29 =	sadd.s32 $0xFFFFFFD0, s15;
	v6 =	vsub.s32 v12, v0;
	[tilespmem:v10+s31+$0x0] =	vst.idx.msk vm2, v7;
	v7 =	vsub.s32 v13, v0;
	v12 =	vld [tilespmem:s17+$0x80];
	v10 =	vor.u32 s6, v2  }
0x60: {  	s18 =	sadd.s32 $0xFFFFFF30, s15;
	s4 =	sadd.s32 $0xFFFFFFB0, s15;
	s19 =	sadd.s32 $0xFFFFFF70, s15;
	v13 =	vld [tilespmem:s17+$0x90];
	vm2 =	vlt.u32 v6, $0xF424;
	[tilespmem:v11+s31+$0x0] =	vst.idx.msk vm3, v8;
	vm3 =	vlt.u32 v7, $0xF424;
	v8 =	vsub.s32 v15, v0  }
0x61: {  	s5 =	sadd.s32 $0xFFFFFFA0, s15;
	s20 =	sadd.s32 $0xFFFFFF40, s15;
	s24 =	sadd.s32 $0xFFFFFF50, s15;
	v14 =	vld [tilespmem:s17+$0xA0];
	v11 =	vor.u32 s18, v2;
	[tilespmem:v9+s31+$0x0] =	vst.idx.msk vm4, v10;
	v10 =	vor.u32 s14, v2;
	vm4 =	vlt.u32 v8, $0xF424  }
0x62: {  	s23 =	sadd.s32 $0xFFFFFF60, s15;
	s25 =	sadd.s32 $0xFFFFFFF0, s15;
	s26 =	sadd.s32 $0xFFFFFFE0, s15;
	v15 =	vld [tilespmem:s17+$0xB0];
	v9 =	vsub.s32 v17, v0;
	[tilespmem:v18+s31+$0x0] =	vst.idx.msk vm5, v10;
	v17 =	vor.u32 s20, v2;
	v10 =	vsub.s32 v16, v0  }
0x63: {  	s6 =	sadd.s32 $0xFFFFFF90, s15;
	s20 =	smov.u32 s15;
	vm5 =	vlt.u32 v9, $0xF424;
	v16 =	vld [tilespmem:s17+$0xFFFFFF40];
	[tilespmem:v19+s31+$0x0] =	vst.idx.msk vm6, v11;
	v11 =	vsub.s32 v20, v0;
	s17 =	simm.s32 $0x250;
	vm6 =	vlt.u32 v10, $0xF424  }
.LBB2_5:
0x64: {  	v18 =	vld [tilespmem:s17+$0xC0];
	s16 =	sadd.s32 $0x19, s16;
	[tilespmem:v4+s31+$0x0] =	vst.idx.msk vm0, v17;
	v4 =	vor.u32 s24, v2;
	vm8 =	vlt.u32 v11, $0xF424;
	v12 =	vsub.s32 v12, v0  }
0x65: {  	v17 =	vld [tilespmem:s17+$0xFFFFFF50];
	p2 =	slt.u32 s16, $0x258;
	[tilespmem:v5+s31+$0x0] =	vst.idx.msk vm1, v4;
	v4 =	vor.u32 s23, v2;
	vm1 =	vlt.u32 v12, $0xF424;
	v5 =	vsub.s32 v13, v0  }
0x66: {  	v13 =	vld [tilespmem:s17+$0xFFFFFF60];
	[tilespmem:v6+s31+$0x0] =	vst.idx.msk vm2, v4;
	v4 =	vor.u32 s19, v2;
	vm2 =	vlt.u32 v5, $0xF424;
	v6 =	vsub.s32 v14, v0  }
0x67: {  	v14 =	vld [tilespmem:s17+$0xFFFFFF70];
	[tilespmem:v7+s31+$0x0] =	vst.idx.msk vm3, v4;
	v4 =	vor.u32 s7, v2;
	vm9 =	vlt.u32 v6, $0xF424;
	v7 =	vsub.s32 v15, v0  }
0x68: {  	v15 =	vld [tilespmem:s17+$0xFFFFFF80];
	v16 =	vsub.s32 v16, v0;
	[tilespmem:v8+s31+$0x0] =	vst.idx.msk vm4, v4;
	v4 =	vor.u32 s6, v2;
	vm0 =	vlt.u32 v7, $0xF424  }
0x69: {  	v8 =	vld [tilespmem:s17+$0xFFFFFF90];
	v18 =	vsub.s32 v18, v0;
	vm3 =	vlt.u32 v16, $0xF424;
	[tilespmem:v9+s31+$0x0] =	vst.idx.msk vm5, v4;
	v4 =	vor.u32 s5, v2  }
0x6a: {  	v9 =	vsub.s32 v17, v0;
	v17 =	vld [tilespmem:s17+$0xFFFFFFA0];
	vm5 =	vlt.u32 v18, $0xF424;
	[tilespmem:v10+s31+$0x0] =	vst.idx.msk vm6, v4;
	v4 =	vor.u32 s4, v2  }
0x6b: {  	vm7 =	vlt.u32 v9, $0xF424;
	v10 =	vsub.s32 v13, v0;
	v13 =	vld [tilespmem:s17+$0xFFFFFFB0];
	[tilespmem:v11+s31+$0x0] =	vst.idx.msk vm8, v4;
	v4 =	vor.u32 s28, v2  }
0x6c: {  	vm6 =	vlt.u32 v10, $0xF424;
	v11 =	vsub.s32 v14, v0;
	v14 =	vld [tilespmem:s17+$0xFFFFFFC0];
	[tilespmem:v12+s31+$0x0] =	vst.idx.msk vm1, v4;
	v4 =	vor.u32 s29, v2  }
0x6d: {  	vm4 =	vlt.u32 v11, $0xF424;
	v12 =	vsub.s32 v15, v0;
	v15 =	vld [tilespmem:s17+$0xFFFFFFD0];
	[tilespmem:v5+s31+$0x0] =	vst.idx.msk vm2, v4;
	v4 =	vor.u32 s26, v2  }
0x6e: {  	s20 =	sadd.s32 $0x190, s20;
	vm1 =	vlt.u32 v12, $0xF424;
	v5 =	vsub.s32 v8, v0;
	v8 =	vld [tilespmem:s17+$0xFFFFFFE0];
	[tilespmem:v6+s31+$0x0] =	vst.idx.msk vm9, v4;
	v4 =	vor.u32 s25, v2  }
0x6f: {  	v19 =	vor.u32 s20, v2;
	s6 =	sadd.s32 $0xFFFFFEA0, s20;
	s5 =	sadd.s32 $0xFFFFFE90, s20;
	s4 =	sadd.s32 $0xFFFFFE80, s20;
	vm2 =	vlt.u32 v5, $0xF424;
	v6 =	vsub.s32 v17, v0;
	v17 =	vld [tilespmem:s17+$0xFFFFFFF0];
	[tilespmem:v16+s31+$0x0] =	vst.idx.msk vm3, v3  }
0x70: {  	s7 =	sadd.s32 $0xFFFFFEC0, s20;
	s25 =	sadd.s32 $0xFFFFFED0, s20;
	v3 =	vor.u32 s4, v2;
	s4 =	sadd.s32 $0xFFFFFEB0, s20;
	vm3 =	vlt.u32 v6, $0xF424;
	v13 =	vsub.s32 v13, v0;
	v16 =	vld [tilespmem:s17+$0x0];
	[tilespmem:v18+s31+$0x0] =	vst.idx.msk vm5, v19  }
0x71: {  	s9 =	sadd.s32 $0xFFFFFEF0, s20;
	s11 =	sadd.s32 $0xFFFFFF00, s20;
	s26 =	sadd.s32 $0xFFFFFEE0, s20;
	v18 =	vor.u32 s5, v2;
	vm5 =	vlt.u32 v13, $0xF424;
	v14 =	vsub.s32 v14, v0;
	v19 =	vld [tilespmem:s17+$0x10];
	[tilespmem:v7+s31+$0x0] =	vst.idx.msk vm0, v4  }
0x72: {  	s12 =	sadd.s32 $0xFFFFFF10, s20;
	s1 =	sadd.s32 $0xFFFFFF20, s20;
	s18 =	sadd.s32 $0xFFFFFF30, s20;
	v4 =	vor.u32 s6, v2;
	[tilespmem:v9+s31+$0x0] =	vst.idx.msk vm7, v18;
	vm7 =	vlt.u32 v14, $0xF424;
	v9 =	vsub.s32 v15, v0;
	v7 =	vld [tilespmem:s17+$0x20]  }
0x73: {  	s14 =	sadd.s32 $0xFFFFFF40, s20;
	s24 =	sadd.s32 $0xFFFFFF50, s20;
	s23 =	sadd.s32 $0xFFFFFF60, s20;
	[tilespmem:v10+s31+$0x0] =	vst.idx.msk vm6, v4;
	v4 =	vor.u32 s4, v2;
	vm6 =	vlt.u32 v9, $0xF424;
	v10 =	vsub.s32 v8, v0;
	v8 =	vld [tilespmem:s17+$0x30]  }
0x74: {  	s19 =	sadd.s32 $0xFFFFFF70, s20;
	s6 =	sadd.s32 $0xFFFFFF90, s20;
	[tilespmem:v11+s31+$0x0] =	vst.idx.msk vm4, v4;
	v4 =	vor.u32 s7, v2;
	vm8 =	vlt.u32 v10, $0xF424;
	v11 =	vsub.s32 v17, v0;
	v15 =	vld [tilespmem:s17+$0x40];
	s7 =	sadd.s32 $0xFFFFFF80, s20  }
0x75: {  	s28 =	sadd.s32 $0xFFFFFFC0, s20;
	s5 =	sadd.s32 $0xFFFFFFA0, s20;
	s4 =	sadd.s32 $0xFFFFFFB0, s20;
	[tilespmem:v12+s31+$0x0] =	vst.idx.msk vm1, v4;
	v12 =	vor.u32 s25, v2;
	vm9 =	vlt.u32 v11, $0xF424;
	v4 =	vsub.s32 v16, v0;
	v16 =	vld [tilespmem:s17+$0x50]  }
0x76: {  	s29 =	sadd.s32 $0xFFFFFFD0, s20;
	s25 =	sadd.s32 $0xFFFFFFF0, s20;
	[tilespmem:v5+s31+$0x0] =	vst.idx.msk vm2, v12;
	v12 =	vor.u32 s26, v2;
	vm0 =	vlt.u32 v4, $0xF424;
	v5 =	vsub.s32 v19, v0;
	v17 =	vld [tilespmem:s17+$0x60];
	s26 =	sadd.s32 $0xFFFFFFE0, s20  }
0x77: {  	[tilespmem:v6+s31+$0x0] =	vst.idx.msk vm3, v12;
	v12 =	vor.u32 s9, v2;
	vm1 =	vlt.u32 v5, $0xF424;
	v6 =	vsub.s32 v7, v0;
	v18 =	vld [tilespmem:s17+$0x70]  }
.Ltmp3:
0x78: {  	[tilespmem:v13+s31+$0x0] =	vst.idx.msk vm5, v12;
	v13 =	vor.u32 s11, v2;
	vm2 =	vlt.u32 v6, $0xF424;
	v7 =	vsub.s32 v8, v0;
	v12 =	vld [tilespmem:s17+$0x80];
	(pc) =	sbr.rel @p2 .LBB2_5-.Ltmp3, $4  }
0x79: {  	[tilespmem:v14+s31+$0x0] =	vst.idx.msk vm7, v13;
	v14 =	vor.u32 s12, v2;
	vm3 =	vlt.u32 v7, $0xF424;
	v8 =	vsub.s32 v15, v0;
	v13 =	vld [tilespmem:s17+$0x90]  }
0x7a: {  	v15 =	vor.u32 s1, v2;
	[tilespmem:v9+s31+$0x0] =	vst.idx.msk vm6, v14;
	vm4 =	vlt.u32 v8, $0xF424;
	v9 =	vsub.s32 v16, v0;
	v14 =	vld [tilespmem:s17+$0xA0]  }
0x7b: {  	v19 =	vor.u32 s18, v2;
	[tilespmem:v10+s31+$0x0] =	vst.idx.msk vm8, v15;
	vm5 =	vlt.u32 v9, $0xF424;
	v10 =	vsub.s32 v17, v0;
	v15 =	vld [tilespmem:s17+$0xB0]  }
0x7c: {  	v17 =	vor.u32 s14, v2;
	v16 =	vld [tilespmem:s17+$0xFFFFFF40];
	[tilespmem:v11+s31+$0x0] =	vst.idx.msk vm9, v19;
	vm6 =	vlt.u32 v10, $0xF424;
	v11 =	vsub.s32 v18, v0;
	s17 =	sadd.s32 $0x190, s17  }
0x7d: {  	_ =	sdelay $0x4  }
0x7e: {  	[tilespmem:v4+s31+$0x0] =	vst.idx.msk vm0, v17;
	v4 =	vor.u32 s24, v2  }
0x7f: {  	vm0 =	vlt.u32 v11, $0xF424;
	v12 =	vsub.s32 v12, v0;
	[tilespmem:v5+s31+$0x0] =	vst.idx.msk vm1, v4;
	v4 =	vor.u32 s23, v2  }
0x80: {  	vm1 =	vlt.u32 v12, $0xF424;
	v5 =	vsub.s32 v13, v0;
	[tilespmem:v6+s31+$0x0] =	vst.idx.msk vm2, v4;
	v4 =	vor.u32 s19, v2  }
0x81: {  	vm2 =	vlt.u32 v5, $0xF424;
	v6 =	vsub.s32 v14, v0;
	[tilespmem:v7+s31+$0x0] =	vst.idx.msk vm3, v4;
	v4 =	vor.u32 s7, v2  }
0x82: {  	vm3 =	vlt.u32 v6, $0xF424;
	v7 =	vsub.s32 v16, v0;
	[tilespmem:v8+s31+$0x0] =	vst.idx.msk vm4, v4;
	v4 =	vor.u32 s6, v2  }
0x83: {  	v8 =	vsub.s32 v15, v0;
	vm4 =	vlt.u32 v7, $0xF424;
	[tilespmem:v9+s31+$0x0] =	vst.idx.msk vm5, v4;
	v4 =	vor.u32 s5, v2  }
0x84: {  	vm5 =	vlt.u32 v8, $0xF424;
	[tilespmem:v10+s31+$0x0] =	vst.idx.msk vm6, v4;
	v4 =	vor.u32 s4, v2  }
0x85: {  	[tilespmem:v11+s31+$0x0] =	vst.idx.msk vm0, v4;
	v4 =	vor.u32 s28, v2  }
0x86: {  	[tilespmem:v12+s31+$0x0] =	vst.idx.msk vm1, v4;
	v4 =	vor.u32 s29, v2  }
0x87: {  	[tilespmem:v5+s31+$0x0] =	vst.idx.msk vm2, v4;
	v4 =	vor.u32 s26, v2  }
0x88: {  	[tilespmem:v6+s31+$0x0] =	vst.idx.msk vm3, v4  }
0x89: {  	s1 =	smul.u32 $0x13880, s13;
	v4 =	vor.u32 s25, v2;
	[tilespmem:v7+s31+$0x0] =	vst.idx.msk vm4, v3  }
0x8a: {  	[tilespmem:v8+s31+$0x0] =	vst.idx.msk vm5, v4  }
0x8b: {  	s1 =	sshra.s32 s1, $0x2;
	_ =	swait.ge [sflag:s0], $0x2710  }
0x8c: {  	s2 =	simm.s32 $0x0;
	s1 =	sadd.s32 s1, s10;
	[sflag:s0] =	ssyncset.done $0x0  }
0x8d: {  	s17 =	simm.s32 $0x27D0;
	s1 =	sadd.s32 $0x4E20, s1;
	[sflag:s0] =	ssyncadd.s32 $0xFFFFD8F0  }
0x8e: {  	[tilespmem:s2], [sflag:$0x1] =	stream.linear.gather [spmem:s1], $0x2710, $0x38;
	[tilespmem:$0x1C260] =	vst v63  }
0x8f: {  	v3 =	vld [tilespmem:s17+$0xC0]  }
0x90: {  	v4 =	vld [tilespmem:s17+$0xFFFFFF50]  }
0x91: {  	v5 =	vld [tilespmem:s17+$0xFFFFFF60]  }
0x92: {  	v6 =	vld [tilespmem:s17+$0xFFFFFF70]  }
0x93: {  	v7 =	vld [tilespmem:s17+$0xFFFFFF80]  }
0x94: {  	v8 =	vld [tilespmem:s17+$0xFFFFFF90]  }
0x95: {  	v10 =	vld [tilespmem:s17+$0xFFFFFFB0]  }
0x96: {  	v11 =	vld [tilespmem:s17+$0xFFFFFFC0]  }
0x97: {  	v13 =	vld [tilespmem:s17+$0xFFFFFFE0];
	v9 =	vsub.s32 v3, v0  }
0x98: {  	v3 =	vld [tilespmem:s17+$0xFFFFFFA0];
	v4 =	vsub.s32 v4, v0;
	vm2 =	vlt.u32 v9, $0xF424  }
0x99: {  	v15 =	vld [tilespmem:s17+$0xFFFFFFF0];
	v5 =	vsub.s32 v5, v0;
	vm3 =	vlt.u32 v4, $0xF424  }
0x9a: {  	v16 =	vor.u32 s21, v2;
	v6 =	vsub.s32 v6, v0;
	vm4 =	vlt.u32 v5, $0xF424  }
0x9b: {  	v12 =	vld [tilespmem:s17+$0xFFFFFFD0];
	v7 =	vsub.s32 v7, v0;
	v8 =	vsub.s32 v8, v0;
	vm5 =	vlt.u32 v6, $0xF424  }
0x9c: {  	v10 =	vsub.s32 v10, v0;
	v11 =	vsub.s32 v11, v0;
	vm6 =	vlt.u32 v7, $0xF424  }
0x9d: {  	s16 =	sadd.s32 $0xFFFFFE90, s21;
	v17 =	vld [tilespmem:s17+$0x0];
	v18 =	vsub.s32 v13, v0;
	vm0 =	vlt.u32 v8, $0xF424;
	v14 =	vsub.s32 v3, v0  }
0x9e: {  	s14 =	sadd.s32 $0xFFFFFE80, s21;
	s18 =	sadd.s32 $0xFFFFFEA0, s21;
	v19 =	vsub.s32 v15, v0;
	vm1 =	vlt.u32 v14, $0xF424;
	[tilespmem:v9+s31+$0x0] =	vst.idx.msk vm2, v16;
	v9 =	vor.u32 s16, v2;
	v16 =	vld [tilespmem:s17+$0x10]  }
0x9f: {  	s19 =	sadd.s32 $0xFFFFFEB0, s21;
	v13 =	vld [tilespmem:s17+$0x30];
	v3 =	vor.u32 s14, v2;
	vm2 =	vlt.u32 v10, $0xF424;
	[tilespmem:v4+s31+$0x0] =	vst.idx.msk vm3, v9;
	v4 =	vor.u32 s18, v2  }
0xa0: {  	s20 =	sadd.s32 $0xFFFFFEC0, s21;
	s22 =	sadd.s32 $0xFFFFFED0, s21;
	vm3 =	vlt.u32 v11, $0xF424;
	v9 =	vsub.s32 v12, v0;
	v12 =	vld [tilespmem:s17+$0x20];
	[tilespmem:v5+s31+$0x0] =	vst.idx.msk vm4, v4;
	v4 =	vor.u32 s19, v2  }
0xa1: {  	s23 =	sadd.s32 $0xFFFFFEE0, s21;
	v15 =	vld [tilespmem:s17+$0x40];
	vm4 =	vlt.u32 v9, $0xF424;
	v5 =	vor.u32 s22, v2;
	[tilespmem:v6+s31+$0x0] =	vst.idx.msk vm5, v4;
	v4 =	vor.u32 s20, v2  }
0xa2: {  	s25 =	sadd.s32 $0xFFFFFF00, s21;
	vm5 =	vlt.u32 v18, $0xF424;
	v6 =	vor.u32 s23, v2;
	[tilespmem:v7+s31+$0x0] =	vst.idx.msk vm6, v4;
	v4 =	vsub.s32 v17, v0;
	v17 =	vld [tilespmem:s17+$0x50]  }
0xa3: {  	s24 =	sadd.s32 $0xFFFFFEF0, s21;
	[tilespmem:v8+s31+$0x0] =	vst.idx.msk vm0, v5;
	v8 =	vor.u32 s25, v2;
	vm6 =	vlt.u32 v19, $0xF424;
	v5 =	vsub.s32 v16, v0;
	v16 =	vld [tilespmem:s17+$0x60]  }
0xa4: {  	s30 =	sadd.s32 $0xFFFFFF20, s21;
	s9 =	sadd.s32 $0xFFFFFF30, s21;
	s26 =	sadd.s32 $0xFFFFFF10, s21;
	v20 =	vld [tilespmem:s17+$0x70];
	v7 =	vor.u32 s24, v2;
	vm0 =	vlt.u32 v4, $0xF424;
	[tilespmem:v14+s31+$0x0] =	vst.idx.msk vm1, v6;
	vm1 =	vlt.u32 v5, $0xF424  }
0xa5: {  	s11 =	sadd.s32 $0xFFFFFF40, s21;
	s7 =	sadd.s32 $0xFFFFFF80, s21;
	s6 =	sadd.s32 $0xFFFFFF90, s21;
	v6 =	vsub.s32 v12, v0;
	[tilespmem:v10+s31+$0x0] =	vst.idx.msk vm2, v7;
	v7 =	vsub.s32 v13, v0;
	v12 =	vld [tilespmem:s17+$0x80];
	v10 =	vor.u32 s26, v2  }
0xa6: {  	s5 =	sadd.s32 $0xFFFFFFA0, s21;
	s4 =	sadd.s32 $0xFFFFFFB0, s21;
	s28 =	sadd.s32 $0xFFFFFFC0, s21;
	v13 =	vld [tilespmem:s17+$0x90];
	vm2 =	vlt.u32 v6, $0xF424;
	[tilespmem:v11+s31+$0x0] =	vst.idx.msk vm3, v8;
	vm3 =	vlt.u32 v7, $0xF424;
	v8 =	vsub.s32 v15, v0  }
0xa7: {  	s29 =	sadd.s32 $0xFFFFFFD0, s21;
	s16 =	simm.s32 $0x0;
	s19 =	sadd.s32 $0xFFFFFF70, s21;
	v14 =	vld [tilespmem:s17+$0xA0];
	v11 =	vor.u32 s9, v2;
	[tilespmem:v9+s31+$0x0] =	vst.idx.msk vm4, v10;
	v10 =	vor.u32 s30, v2;
	vm4 =	vlt.u32 v8, $0xF424  }
0xa8: {  	s23 =	sadd.s32 $0xFFFFFF60, s21;
	s25 =	sadd.s32 $0xFFFFFFF0, s21;
	s20 =	smov.u32 s21;
	v15 =	vld [tilespmem:s17+$0xB0];
	v9 =	vsub.s32 v17, v0;
	[tilespmem:v18+s31+$0x0] =	vst.idx.msk vm5, v10;
	v17 =	vor.u32 s11, v2;
	v10 =	vsub.s32 v16, v0  }
0xa9: {  	s24 =	sadd.s32 $0xFFFFFF50, s21;
	s26 =	sadd.s32 $0xFFFFFFE0, s21;
	vm5 =	vlt.u32 v9, $0xF424;
	v16 =	vld [tilespmem:s17+$0xFFFFFF40];
	[tilespmem:v19+s31+$0x0] =	vst.idx.msk vm6, v11;
	v11 =	vsub.s32 v20, v0;
	s17 =	simm.s32 $0x2960;
	vm6 =	vlt.u32 v10, $0xF424  }
.LBB2_7:
0xaa: {  	v18 =	vld [tilespmem:s17+$0xC0];
	s16 =	sadd.s32 $0x19, s16;
	[tilespmem:v4+s31+$0x0] =	vst.idx.msk vm0, v17;
	v4 =	vor.u32 s24, v2;
	vm8 =	vlt.u32 v11, $0xF424;
	v12 =	vsub.s32 v12, v0  }
0xab: {  	v17 =	vld [tilespmem:s17+$0xFFFFFF50];
	p2 =	slt.u32 s16, $0x258;
	[tilespmem:v5+s31+$0x0] =	vst.idx.msk vm1, v4;
	v4 =	vor.u32 s23, v2;
	vm1 =	vlt.u32 v12, $0xF424;
	v5 =	vsub.s32 v13, v0  }
0xac: {  	v13 =	vld [tilespmem:s17+$0xFFFFFF60];
	[tilespmem:v6+s31+$0x0] =	vst.idx.msk vm2, v4;
	v4 =	vor.u32 s19, v2;
	vm2 =	vlt.u32 v5, $0xF424;
	v6 =	vsub.s32 v14, v0  }
0xad: {  	v14 =	vld [tilespmem:s17+$0xFFFFFF70];
	[tilespmem:v7+s31+$0x0] =	vst.idx.msk vm3, v4;
	v4 =	vor.u32 s7, v2;
	vm9 =	vlt.u32 v6, $0xF424;
	v7 =	vsub.s32 v15, v0  }
0xae: {  	v15 =	vld [tilespmem:s17+$0xFFFFFF80];
	v16 =	vsub.s32 v16, v0;
	[tilespmem:v8+s31+$0x0] =	vst.idx.msk vm4, v4;
	v4 =	vor.u32 s6, v2;
	vm0 =	vlt.u32 v7, $0xF424  }
0xaf: {  	v8 =	vld [tilespmem:s17+$0xFFFFFF90];
	v18 =	vsub.s32 v18, v0;
	vm3 =	vlt.u32 v16, $0xF424;
	[tilespmem:v9+s31+$0x0] =	vst.idx.msk vm5, v4;
	v4 =	vor.u32 s5, v2  }
0xb0: {  	v9 =	vsub.s32 v17, v0;
	v17 =	vld [tilespmem:s17+$0xFFFFFFA0];
	vm5 =	vlt.u32 v18, $0xF424;
	[tilespmem:v10+s31+$0x0] =	vst.idx.msk vm6, v4;
	v4 =	vor.u32 s4, v2  }
0xb1: {  	vm7 =	vlt.u32 v9, $0xF424;
	v10 =	vsub.s32 v13, v0;
	v13 =	vld [tilespmem:s17+$0xFFFFFFB0];
	[tilespmem:v11+s31+$0x0] =	vst.idx.msk vm8, v4;
	v4 =	vor.u32 s28, v2  }
0xb2: {  	vm6 =	vlt.u32 v10, $0xF424;
	v11 =	vsub.s32 v14, v0;
	v14 =	vld [tilespmem:s17+$0xFFFFFFC0];
	[tilespmem:v12+s31+$0x0] =	vst.idx.msk vm1, v4;
	v4 =	vor.u32 s29, v2  }
0xb3: {  	vm4 =	vlt.u32 v11, $0xF424;
	v12 =	vsub.s32 v15, v0;
	v15 =	vld [tilespmem:s17+$0xFFFFFFD0];
	[tilespmem:v5+s31+$0x0] =	vst.idx.msk vm2, v4;
	v4 =	vor.u32 s26, v2  }
0xb4: {  	s20 =	sadd.s32 $0x190, s20;
	vm1 =	vlt.u32 v12, $0xF424;
	v5 =	vsub.s32 v8, v0;
	v8 =	vld [tilespmem:s17+$0xFFFFFFE0];
	[tilespmem:v6+s31+$0x0] =	vst.idx.msk vm9, v4;
	v4 =	vor.u32 s25, v2  }
0xb5: {  	s1 =	sadd.s32 $0xFFFFFE80, s20;
	v19 =	vor.u32 s20, v2;
	s5 =	sadd.s32 $0xFFFFFEA0, s20;
	s4 =	sadd.s32 $0xFFFFFE90, s20;
	vm2 =	vlt.u32 v5, $0xF424;
	v6 =	vsub.s32 v17, v0;
	v17 =	vld [tilespmem:s17+$0xFFFFFFF0];
	[tilespmem:v16+s31+$0x0] =	vst.idx.msk vm3, v3  }
0xb6: {  	s9 =	sadd.s32 $0xFFFFFED0, s20;
	s6 =	sadd.s32 $0xFFFFFEC0, s20;
	v3 =	vor.u32 s1, v2;
	s1 =	sadd.s32 $0xFFFFFEB0, s20;
	vm3 =	vlt.u32 v6, $0xF424;
	v13 =	vsub.s32 v13, v0;
	v16 =	vld [tilespmem:s17+$0x0];
	[tilespmem:v18+s31+$0x0] =	vst.idx.msk vm5, v19  }
0xb7: {  	s11 =	sadd.s32 $0xFFFFFEE0, s20;
	s12 =	sadd.s32 $0xFFFFFEF0, s20;
	s30 =	sadd.s32 $0xFFFFFF00, s20;
	v18 =	vor.u32 s4, v2;
	vm5 =	vlt.u32 v13, $0xF424;
	v14 =	vsub.s32 v14, v0;
	v19 =	vld [tilespmem:s17+$0x10];
	[tilespmem:v7+s31+$0x0] =	vst.idx.msk vm0, v4  }
0xb8: {  	s2 =	sadd.s32 $0xFFFFFF10, s20;
	s22 =	sadd.s32 $0xFFFFFF20, s20;
	s14 =	sadd.s32 $0xFFFFFF30, s20;
	v4 =	vor.u32 s5, v2;
	[tilespmem:v9+s31+$0x0] =	vst.idx.msk vm7, v18;
	vm7 =	vlt.u32 v14, $0xF424;
	v9 =	vsub.s32 v15, v0;
	v7 =	vld [tilespmem:s17+$0x20]  }
0xb9: {  	s18 =	sadd.s32 $0xFFFFFF40, s20;
	s24 =	sadd.s32 $0xFFFFFF50, s20;
	s23 =	sadd.s32 $0xFFFFFF60, s20;
	[tilespmem:v10+s31+$0x0] =	vst.idx.msk vm6, v4;
	v4 =	vor.u32 s1, v2;
	vm6 =	vlt.u32 v9, $0xF424;
	v10 =	vsub.s32 v8, v0;
	v8 =	vld [tilespmem:s17+$0x30]  }
0xba: {  	s19 =	sadd.s32 $0xFFFFFF70, s20;
	s7 =	sadd.s32 $0xFFFFFF80, s20;
	[tilespmem:v11+s31+$0x0] =	vst.idx.msk vm4, v4;
	v4 =	vor.u32 s6, v2;
	vm8 =	vlt.u32 v10, $0xF424;
	v11 =	vsub.s32 v17, v0;
	v15 =	vld [tilespmem:s17+$0x40];
	s6 =	sadd.s32 $0xFFFFFF90, s20  }
0xbb: {  	s28 =	sadd.s32 $0xFFFFFFC0, s20;
	s4 =	sadd.s32 $0xFFFFFFB0, s20;
	s5 =	sadd.s32 $0xFFFFFFA0, s20;
	[tilespmem:v12+s31+$0x0] =	vst.idx.msk vm1, v4;
	v12 =	vor.u32 s9, v2;
	vm9 =	vlt.u32 v11, $0xF424;
	v4 =	vsub.s32 v16, v0;
	v16 =	vld [tilespmem:s17+$0x50]  }
0xbc: {  	s29 =	sadd.s32 $0xFFFFFFD0, s20;
	s26 =	sadd.s32 $0xFFFFFFE0, s20;
	s25 =	sadd.s32 $0xFFFFFFF0, s20;
	[tilespmem:v5+s31+$0x0] =	vst.idx.msk vm2, v12;
	v12 =	vor.u32 s11, v2;
	vm0 =	vlt.u32 v4, $0xF424;
	v5 =	vsub.s32 v19, v0;
	v17 =	vld [tilespmem:s17+$0x60]  }
0xbd: {  	[tilespmem:v6+s31+$0x0] =	vst.idx.msk vm3, v12;
	v12 =	vor.u32 s12, v2;
	vm1 =	vlt.u32 v5, $0xF424;
	v6 =	vsub.s32 v7, v0;
	v18 =	vld [tilespmem:s17+$0x70]  }
.Ltmp4:
0xbe: {  	[tilespmem:v13+s31+$0x0] =	vst.idx.msk vm5, v12;
	v13 =	vor.u32 s30, v2;
	vm2 =	vlt.u32 v6, $0xF424;
	v7 =	vsub.s32 v8, v0;
	v12 =	vld [tilespmem:s17+$0x80];
	(pc) =	sbr.rel @p2 .LBB2_7-.Ltmp4, $4  }
0xbf: {  	[tilespmem:v14+s31+$0x0] =	vst.idx.msk vm7, v13;
	v14 =	vor.u32 s2, v2;
	vm3 =	vlt.u32 v7, $0xF424;
	v8 =	vsub.s32 v15, v0;
	v13 =	vld [tilespmem:s17+$0x90]  }
0xc0: {  	v15 =	vor.u32 s22, v2;
	[tilespmem:v9+s31+$0x0] =	vst.idx.msk vm6, v14;
	vm4 =	vlt.u32 v8, $0xF424;
	v9 =	vsub.s32 v16, v0;
	v14 =	vld [tilespmem:s17+$0xA0]  }
0xc1: {  	v19 =	vor.u32 s14, v2;
	[tilespmem:v10+s31+$0x0] =	vst.idx.msk vm8, v15;
	vm5 =	vlt.u32 v9, $0xF424;
	v10 =	vsub.s32 v17, v0;
	v15 =	vld [tilespmem:s17+$0xB0]  }
0xc2: {  	v17 =	vor.u32 s18, v2;
	v16 =	vld [tilespmem:s17+$0xFFFFFF40];
	[tilespmem:v11+s31+$0x0] =	vst.idx.msk vm9, v19;
	vm6 =	vlt.u32 v10, $0xF424;
	v11 =	vsub.s32 v18, v0;
	s17 =	sadd.s32 $0x190, s17  }
0xc3: {  	_ =	sdelay $0x4  }
0xc4: {  	[tilespmem:v4+s31+$0x0] =	vst.idx.msk vm0, v17;
	v49 =	vor.u32 s24, v2  }
0xc5: {  	vm10 =	vlt.u32 v11, $0xF424;
	v12 =	vsub.s32 v12, v0;
	v50 =	vor.u32 s23, v2;
	[tilespmem:v5+s31+$0x0] =	vst.idx.msk vm1, v49  }
0xc6: {  	v52 =	vor.u32 s19, v2;
	vm11 =	vlt.u32 v12, $0xF424;
	v51 =	vsub.s32 v13, v0;
	[tilespmem:v6+s31+$0x0] =	vst.idx.msk vm2, v50  }
0xc7: {  	v54 =	vor.u32 s7, v2;
	[tilespmem:v7+s31+$0x0] =	vst.idx.msk vm3, v52;
	vm12 =	vlt.u32 v51, $0xF424;
	v53 =	vsub.s32 v14, v0  }
0xc8: {  	v56 =	vor.u32 s6, v2;
	[tilespmem:v8+s31+$0x0] =	vst.idx.msk vm4, v54;
	vm13 =	vlt.u32 v53, $0xF424;
	v57 =	vsub.s32 v15, v0  }
0xc9: {  	v58 =	vor.u32 s5, v2;
	[tilespmem:v9+s31+$0x0] =	vst.idx.msk vm5, v56;
	v55 =	vsub.s32 v16, v0;
	vm15 =	vlt.u32 v57, $0xF424  }
0xca: {  	v59 =	vor.u32 s4, v2;
	s13 =	sadd.s32 $0x1, s13;
	[tilespmem:v10+s31+$0x0] =	vst.idx.msk vm6, v58;
	vm14 =	vlt.u32 v55, $0xF424  }
0xcb: {  	v60 =	vor.u32 s28, v2;
	p2 =	sne.s32 s13, $0xC;
	[tilespmem:v11+s31+$0x0] =	vst.idx.msk vm10, v59  }
.Ltmp5:
0xcc: {  	v61 =	vor.u32 s29, v2;
	[tilespmem:v12+s31+$0x0] =	vst.idx.msk vm11, v60;
	(pc) =	sbr.rel @p2 .LBB2_4-.Ltmp5, $4  }
0xcd: {  	v62 =	vor.u32 s26, v2;
	[tilespmem:v51+s31+$0x0] =	vst.idx.msk vm12, v61  }
0xce: {  	v63 =	vor.u32 s25, v2;
	[tilespmem:v53+s31+$0x0] =	vst.idx.msk vm13, v62  }
0xcf: {  	[tilespmem:v57+s31+$0x0] =	vst.idx.msk vm15, v63  }
0xd0: {  	s15 =	sadd.s32 $0x4E20, s15;
	s21 =	sadd.s32 $0x4E20, s21;
	[tilespmem:v55+s31+$0x0] =	vst.idx.msk vm14, v3  }
0xd1: {  	_ =	swait.ge [sflag:s3], $0x2710  }
0xd2: {  	[sflag:s3] =	ssyncset.done $0x0  }
0xd3: {  	s15 =	simm.s32 $0xC0;
	[sflag:s3] =	ssyncadd.s32 $0xFFFFD8F0  }
0xd4: {  	v3 =	vld [tilespmem:s15+$0xC0]  }
0xd5: {  	v4 =	vld [tilespmem:s15+$0xFFFFFF50]  }
0xd6: {  	v5 =	vld [tilespmem:s15+$0xFFFFFF60]  }
0xd7: {  	v6 =	vld [tilespmem:s15+$0xFFFFFF70]  }
0xd8: {  	v7 =	vld [tilespmem:s15+$0xFFFFFF80]  }
0xd9: {  	v8 =	vld [tilespmem:s15+$0xFFFFFF90]  }
0xda: {  	v10 =	vld [tilespmem:s15+$0xFFFFFFB0]  }
0xdb: {  	v11 =	vld [tilespmem:s15+$0xFFFFFFC0]  }
0xdc: {  	v13 =	vld [tilespmem:s15+$0xFFFFFFE0];
	v9 =	vsub.s32 v3, v0  }
0xdd: {  	v3 =	vld [tilespmem:s15+$0xFFFFFFA0];
	v4 =	vsub.s32 v4, v0;
	vm2 =	vlt.u32 v9, $0xF424  }
0xde: {  	s12 =	rddreg [dreg:$0x14];
	v15 =	vld [tilespmem:s15+$0xFFFFFFF0];
	v5 =	vsub.s32 v5, v0;
	vm3 =	vlt.u32 v4, $0xF424  }
0xdf: {  	v16 =	vor.u32 s12, v2;
	v6 =	vsub.s32 v6, v0;
	vm4 =	vlt.u32 v5, $0xF424  }
0xe0: {  	v12 =	vld [tilespmem:s15+$0xFFFFFFD0];
	v7 =	vsub.s32 v7, v0;
	v8 =	vsub.s32 v8, v0;
	vm5 =	vlt.u32 v6, $0xF424  }
0xe1: {  	v10 =	vsub.s32 v10, v0;
	v11 =	vsub.s32 v11, v0;
	vm6 =	vlt.u32 v7, $0xF424  }
0xe2: {  	s2 =	sadd.s32 $0xFFFFFE90, s12;
	v17 =	vld [tilespmem:s15+$0x0];
	v18 =	vsub.s32 v13, v0;
	vm0 =	vlt.u32 v8, $0xF424;
	v14 =	vsub.s32 v3, v0  }
0xe3: {  	s1 =	sadd.s32 $0xFFFFFE80, s12;
	s22 =	sadd.s32 $0xFFFFFEA0, s12;
	v19 =	vsub.s32 v15, v0;
	vm1 =	vlt.u32 v14, $0xF424;
	[tilespmem:v9+s31+$0x0] =	vst.idx.msk vm2, v16;
	v9 =	vor.u32 s2, v2;
	v16 =	vld [tilespmem:s15+$0x10]  }
0xe4: {  	s23 =	sadd.s32 $0xFFFFFEB0, s12;
	v13 =	vld [tilespmem:s15+$0x30];
	v3 =	vor.u32 s1, v2;
	vm2 =	vlt.u32 v10, $0xF424;
	[tilespmem:v4+s31+$0x0] =	vst.idx.msk vm3, v9;
	v4 =	vor.u32 s22, v2  }
0xe5: {  	s24 =	sadd.s32 $0xFFFFFEC0, s12;
	s25 =	sadd.s32 $0xFFFFFED0, s12;
	vm3 =	vlt.u32 v11, $0xF424;
	v9 =	vsub.s32 v12, v0;
	v12 =	vld [tilespmem:s15+$0x20];
	[tilespmem:v5+s31+$0x0] =	vst.idx.msk vm4, v4;
	v4 =	vor.u32 s23, v2  }
0xe6: {  	s26 =	sadd.s32 $0xFFFFFEE0, s12;
	v15 =	vld [tilespmem:s15+$0x40];
	vm4 =	vlt.u32 v9, $0xF424;
	v5 =	vor.u32 s25, v2;
	[tilespmem:v6+s31+$0x0] =	vst.idx.msk vm5, v4;
	v4 =	vor.u32 s24, v2  }
0xe7: {  	s29 =	sadd.s32 $0xFFFFFF00, s12;
	vm5 =	vlt.u32 v18, $0xF424;
	v6 =	vor.u32 s26, v2;
	[tilespmem:v7+s31+$0x0] =	vst.idx.msk vm6, v4;
	v4 =	vsub.s32 v17, v0;
	v17 =	vld [tilespmem:s15+$0x50]  }
0xe8: {  	s28 =	sadd.s32 $0xFFFFFEF0, s12;
	[tilespmem:v8+s31+$0x0] =	vst.idx.msk vm0, v5;
	v8 =	vor.u32 s29, v2;
	vm6 =	vlt.u32 v19, $0xF424;
	v5 =	vsub.s32 v16, v0;
	v16 =	vld [tilespmem:s15+$0x60]  }
0xe9: {  	s13 =	simm.s32 $0x0;
	s16 =	simm.s32 $0x250;
	s4 =	sadd.s32 $0xFFFFFF10, s12;
	v20 =	vld [tilespmem:s15+$0x70];
	v7 =	vor.u32 s28, v2;
	vm0 =	vlt.u32 v4, $0xF424;
	[tilespmem:v14+s31+$0x0] =	vst.idx.msk vm1, v6;
	vm1 =	vlt.u32 v5, $0xF424  }
0xea: {  	s30 =	sadd.s32 $0xFFFFFF20, s12;
	s9 =	sadd.s32 $0xFFFFFF30, s12;
	s11 =	sadd.s32 $0xFFFFFF40, s12;
	v6 =	vsub.s32 v12, v0;
	[tilespmem:v10+s31+$0x0] =	vst.idx.msk vm2, v7;
	v7 =	vsub.s32 v13, v0;
	v12 =	vld [tilespmem:s15+$0x80];
	v10 =	vor.u32 s4, v2  }
0xeb: {  	s19 =	sadd.s32 $0xFFFFFF70, s12;
	s7 =	sadd.s32 $0xFFFFFF80, s12;
	s6 =	sadd.s32 $0xFFFFFF90, s12;
	v13 =	vld [tilespmem:s15+$0x90];
	vm2 =	vlt.u32 v6, $0xF424;
	[tilespmem:v11+s31+$0x0] =	vst.idx.msk vm3, v8;
	vm3 =	vlt.u32 v7, $0xF424;
	v8 =	vsub.s32 v15, v0  }
0xec: {  	s5 =	sadd.s32 $0xFFFFFFA0, s12;
	s21 =	sadd.s32 $0xFFFFFFC0, s12;
	s20 =	sadd.s32 $0xFFFFFFE0, s12;
	v14 =	vld [tilespmem:s15+$0xA0];
	v11 =	vor.u32 s9, v2;
	[tilespmem:v9+s31+$0x0] =	vst.idx.msk vm4, v10;
	v10 =	vor.u32 s30, v2;
	vm4 =	vlt.u32 v8, $0xF424  }
0xed: {  	s17 =	sadd.s32 $0xFFFFFFF0, s12;
	s23 =	sadd.s32 $0xFFFFFF60, s12;
	s25 =	sadd.s32 $0xFFFFFFD0, s12;
	v15 =	vld [tilespmem:s15+$0xB0];
	v9 =	vsub.s32 v17, v0;
	[tilespmem:v18+s31+$0x0] =	vst.idx.msk vm5, v10;
	v17 =	vor.u32 s11, v2;
	v10 =	vsub.s32 v16, v0  }
0xee: {  	s24 =	sadd.s32 $0xFFFFFF50, s12;
	s4 =	sadd.s32 $0xFFFFFFB0, s12;
	vm5 =	vlt.u32 v9, $0xF424;
	v16 =	vld [tilespmem:s15+$0xFFFFFF40];
	[tilespmem:v19+s31+$0x0] =	vst.idx.msk vm6, v11;
	v11 =	vsub.s32 v20, v0;
	s15 =	smov.u32 s12;
	vm6 =	vlt.u32 v10, $0xF424  }
.LBB2_10:
0xef: {  	v18 =	vld [tilespmem:s16+$0xC0];
	s13 =	sadd.s32 $0x19, s13;
	[tilespmem:v4+s31+$0x0] =	vst.idx.msk vm0, v17;
	v4 =	vor.u32 s24, v2;
	vm8 =	vlt.u32 v11, $0xF424;
	v12 =	vsub.s32 v12, v0  }
0xf0: {  	v17 =	vld [tilespmem:s16+$0xFFFFFF50];
	p2 =	slt.u32 s13, $0x258;
	[tilespmem:v5+s31+$0x0] =	vst.idx.msk vm1, v4;
	v4 =	vor.u32 s23, v2;
	vm1 =	vlt.u32 v12, $0xF424;
	v5 =	vsub.s32 v13, v0  }
0xf1: {  	v13 =	vld [tilespmem:s16+$0xFFFFFF60];
	[tilespmem:v6+s31+$0x0] =	vst.idx.msk vm2, v4;
	v4 =	vor.u32 s19, v2;
	vm2 =	vlt.u32 v5, $0xF424;
	v6 =	vsub.s32 v14, v0  }
0xf2: {  	v14 =	vld [tilespmem:s16+$0xFFFFFF70];
	[tilespmem:v7+s31+$0x0] =	vst.idx.msk vm3, v4;
	v4 =	vor.u32 s7, v2;
	vm9 =	vlt.u32 v6, $0xF424;
	v7 =	vsub.s32 v15, v0  }
0xf3: {  	v15 =	vld [tilespmem:s16+$0xFFFFFF80];
	v16 =	vsub.s32 v16, v0;
	[tilespmem:v8+s31+$0x0] =	vst.idx.msk vm4, v4;
	v4 =	vor.u32 s6, v2;
	vm0 =	vlt.u32 v7, $0xF424  }
0xf4: {  	v8 =	vld [tilespmem:s16+$0xFFFFFF90];
	v18 =	vsub.s32 v18, v0;
	vm3 =	vlt.u32 v16, $0xF424;
	[tilespmem:v9+s31+$0x0] =	vst.idx.msk vm5, v4;
	v4 =	vor.u32 s5, v2  }
0xf5: {  	v9 =	vsub.s32 v17, v0;
	v17 =	vld [tilespmem:s16+$0xFFFFFFA0];
	vm5 =	vlt.u32 v18, $0xF424;
	[tilespmem:v10+s31+$0x0] =	vst.idx.msk vm6, v4;
	v4 =	vor.u32 s4, v2  }
0xf6: {  	vm7 =	vlt.u32 v9, $0xF424;
	v10 =	vsub.s32 v13, v0;
	v13 =	vld [tilespmem:s16+$0xFFFFFFB0];
	[tilespmem:v11+s31+$0x0] =	vst.idx.msk vm8, v4;
	v4 =	vor.u32 s21, v2  }
0xf7: {  	vm6 =	vlt.u32 v10, $0xF424;
	v11 =	vsub.s32 v14, v0;
	v14 =	vld [tilespmem:s16+$0xFFFFFFC0];
	[tilespmem:v12+s31+$0x0] =	vst.idx.msk vm1, v4;
	v4 =	vor.u32 s25, v2  }
0xf8: {  	vm4 =	vlt.u32 v11, $0xF424;
	v12 =	vsub.s32 v15, v0;
	v15 =	vld [tilespmem:s16+$0xFFFFFFD0];
	[tilespmem:v5+s31+$0x0] =	vst.idx.msk vm2, v4;
	v4 =	vor.u32 s20, v2  }
0xf9: {  	s15 =	sadd.s32 $0x190, s15;
	vm1 =	vlt.u32 v12, $0xF424;
	v5 =	vsub.s32 v8, v0;
	v8 =	vld [tilespmem:s16+$0xFFFFFFE0];
	[tilespmem:v6+s31+$0x0] =	vst.idx.msk vm9, v4;
	v4 =	vor.u32 s17, v2  }
0xfa: {  	s1 =	sadd.s32 $0xFFFFFE80, s15;
	s2 =	sadd.s32 $0xFFFFFE90, s15;
	v19 =	vor.u32 s15, v2;
	s4 =	sadd.s32 $0xFFFFFEA0, s15;
	vm2 =	vlt.u32 v5, $0xF424;
	v6 =	vsub.s32 v17, v0;
	v17 =	vld [tilespmem:s16+$0xFFFFFFF0];
	[tilespmem:v16+s31+$0x0] =	vst.idx.msk vm3, v3  }
0xfb: {  	s9 =	sadd.s32 $0xFFFFFED0, s15;
	s5 =	sadd.s32 $0xFFFFFEC0, s15;
	v3 =	vor.u32 s1, v2;
	s1 =	sadd.s32 $0xFFFFFEB0, s15;
	vm3 =	vlt.u32 v6, $0xF424;
	v13 =	vsub.s32 v13, v0;
	v16 =	vld [tilespmem:s16+$0x0];
	[tilespmem:v18+s31+$0x0] =	vst.idx.msk vm5, v19  }
0xfc: {  	s11 =	sadd.s32 $0xFFFFFEF0, s15;
	s12 =	sadd.s32 $0xFFFFFF00, s15;
	v18 =	vor.u32 s2, v2;
	s2 =	sadd.s32 $0xFFFFFEE0, s15;
	vm5 =	vlt.u32 v13, $0xF424;
	v14 =	vsub.s32 v14, v0;
	v19 =	vld [tilespmem:s16+$0x10];
	[tilespmem:v7+s31+$0x0] =	vst.idx.msk vm0, v4  }
0xfd: {  	s22 =	sadd.s32 $0xFFFFFF10, s15;
	s26 =	sadd.s32 $0xFFFFFF20, s15;
	s14 =	sadd.s32 $0xFFFFFF30, s15;
	v4 =	vor.u32 s4, v2;
	[tilespmem:v9+s31+$0x0] =	vst.idx.msk vm7, v18;
	vm7 =	vlt.u32 v14, $0xF424;
	v9 =	vsub.s32 v15, v0;
	v7 =	vld [tilespmem:s16+$0x20]  }
0xfe: {  	s18 =	sadd.s32 $0xFFFFFF40, s15;
	s24 =	sadd.s32 $0xFFFFFF50, s15;
	s23 =	sadd.s32 $0xFFFFFF60, s15;
	[tilespmem:v10+s31+$0x0] =	vst.idx.msk vm6, v4;
	v4 =	vor.u32 s1, v2;
	vm6 =	vlt.u32 v9, $0xF424;
	v10 =	vsub.s32 v8, v0;
	v8 =	vld [tilespmem:s16+$0x30]  }
0xff: {  	s19 =	sadd.s32 $0xFFFFFF70, s15;
	s7 =	sadd.s32 $0xFFFFFF80, s15;
	s6 =	sadd.s32 $0xFFFFFF90, s15;
	[tilespmem:v11+s31+$0x0] =	vst.idx.msk vm4, v4;
	v4 =	vor.u32 s5, v2;
	vm8 =	vlt.u32 v10, $0xF424;
	v11 =	vsub.s32 v17, v0;
	v15 =	vld [tilespmem:s16+$0x40]  }
0x100: {  	s21 =	sadd.s32 $0xFFFFFFC0, s15;
	s4 =	sadd.s32 $0xFFFFFFB0, s15;
	s5 =	sadd.s32 $0xFFFFFFA0, s15;
	[tilespmem:v12+s31+$0x0] =	vst.idx.msk vm1, v4;
	v12 =	vor.u32 s9, v2;
	vm9 =	vlt.u32 v11, $0xF424;
	v4 =	vsub.s32 v16, v0;
	v16 =	vld [tilespmem:s16+$0x50]  }
0x101: {  	s25 =	sadd.s32 $0xFFFFFFD0, s15;
	s20 =	sadd.s32 $0xFFFFFFE0, s15;
	s17 =	sadd.s32 $0xFFFFFFF0, s15;
	[tilespmem:v5+s31+$0x0] =	vst.idx.msk vm2, v12;
	v12 =	vor.u32 s2, v2;
	vm0 =	vlt.u32 v4, $0xF424;
	v5 =	vsub.s32 v19, v0;
	v17 =	vld [tilespmem:s16+$0x60]  }
0x102: {  	[tilespmem:v6+s31+$0x0] =	vst.idx.msk vm3, v12;
	v12 =	vor.u32 s11, v2;
	vm1 =	vlt.u32 v5, $0xF424;
	v6 =	vsub.s32 v7, v0;
	v18 =	vld [tilespmem:s16+$0x70]  }
.Ltmp6:
0x103: {  	[tilespmem:v13+s31+$0x0] =	vst.idx.msk vm5, v12;
	v13 =	vor.u32 s12, v2;
	vm2 =	vlt.u32 v6, $0xF424;
	v7 =	vsub.s32 v8, v0;
	v12 =	vld [tilespmem:s16+$0x80];
	(pc) =	sbr.rel @p2 .LBB2_10-.Ltmp6, $4  }
0x104: {  	[tilespmem:v14+s31+$0x0] =	vst.idx.msk vm7, v13;
	v14 =	vor.u32 s22, v2;
	vm3 =	vlt.u32 v7, $0xF424;
	v8 =	vsub.s32 v15, v0;
	v13 =	vld [tilespmem:s16+$0x90]  }
0x105: {  	v15 =	vor.u32 s26, v2;
	[tilespmem:v9+s31+$0x0] =	vst.idx.msk vm6, v14;
	vm4 =	vlt.u32 v8, $0xF424;
	v9 =	vsub.s32 v16, v0;
	v14 =	vld [tilespmem:s16+$0xA0]  }
0x106: {  	v19 =	vor.u32 s14, v2;
	[tilespmem:v10+s31+$0x0] =	vst.idx.msk vm8, v15;
	vm5 =	vlt.u32 v9, $0xF424;
	v10 =	vsub.s32 v17, v0;
	v15 =	vld [tilespmem:s16+$0xB0]  }
0x107: {  	v17 =	vor.u32 s18, v2;
	v16 =	vld [tilespmem:s16+$0xFFFFFF40];
	[tilespmem:v11+s31+$0x0] =	vst.idx.msk vm9, v19;
	vm6 =	vlt.u32 v10, $0xF424;
	v11 =	vsub.s32 v18, v0;
	s16 =	sadd.s32 $0x190, s16  }
0x108: {  	_ =	sdelay $0x4  }
0x109: {  	[tilespmem:v4+s31+$0x0] =	vst.idx.msk vm0, v17;
	v49 =	vor.u32 s24, v2  }
0x10a: {  	vm10 =	vlt.u32 v11, $0xF424;
	v12 =	vsub.s32 v12, v0;
	v50 =	vor.u32 s23, v2;
	[tilespmem:v5+s31+$0x0] =	vst.idx.msk vm1, v49  }
0x10b: {  	v52 =	vor.u32 s19, v2;
	vm11 =	vlt.u32 v12, $0xF424;
	v51 =	vsub.s32 v13, v0;
	[tilespmem:v6+s31+$0x0] =	vst.idx.msk vm2, v50  }
0x10c: {  	v54 =	vor.u32 s7, v2;
	[tilespmem:v7+s31+$0x0] =	vst.idx.msk vm3, v52;
	vm12 =	vlt.u32 v51, $0xF424;
	v53 =	vsub.s32 v14, v0  }
0x10d: {  	v56 =	vor.u32 s6, v2;
	[tilespmem:v8+s31+$0x0] =	vst.idx.msk vm4, v54;
	vm13 =	vlt.u32 v53, $0xF424;
	v57 =	vsub.s32 v15, v0  }
0x10e: {  	v58 =	vor.u32 s5, v2;
	[tilespmem:v9+s31+$0x0] =	vst.idx.msk vm5, v56;
	v55 =	vsub.s32 v16, v0;
	vm15 =	vlt.u32 v57, $0xF424  }
0x10f: {  	v59 =	vor.u32 s4, v2;
	[tilespmem:v10+s31+$0x0] =	vst.idx.msk vm6, v58;
	vm14 =	vlt.u32 v55, $0xF424  }
0x110: {  	v60 =	vor.u32 s21, v2;
	[tilespmem:v11+s31+$0x0] =	vst.idx.msk vm10, v59  }
0x111: {  	v61 =	vor.u32 s25, v2;
	[tilespmem:v12+s31+$0x0] =	vst.idx.msk vm11, v60  }
0x112: {  	v62 =	vor.u32 s20, v2;
	[tilespmem:v51+s31+$0x0] =	vst.idx.msk vm12, v61  }
.Ltmp7:
0x113: {  	v63 =	vor.u32 s17, v2;
	[tilespmem:v53+s31+$0x0] =	vst.idx.msk vm13, v62;
	(pc) =	sbr.rel @!p1 .LBB2_12-.Ltmp7, $3  }
0x114: {  	[tilespmem:v57+s31+$0x0] =	vst.idx.msk vm15, v63  }
0x115: {  	[tilespmem:v55+s31+$0x0] =	vst.idx.msk vm14, v3  }
0x116: {  	[bflag:$0x0] =	sbarrier.arrive $0xFFFF;
	_ =	sdelay $0x1  }
0x117: {  	s1 =	rddreg [dreg:$0x8];
	s2 =	simm.s32 $0xCE20;
	s9 =	simm.s32 $0x3  }
0x118: {  	[spmem:s1] =	stream.linear.scatter [tilespmem:s2], [sflag:$0x3], $0x7440, $0x38;
	[tilespmem:$0x1C260] =	vst v63  }
0x119: {  	_ =	swait.ge [sflag:s9], $0x7440  }
0x11a: {  	[sflag:s9] =	ssyncset.done $0x0  }
0x11b: {  	[sflag:s9] =	ssyncadd.s32 $0xFFFF8BC0  }
0x11c: {  	[bflag:$0x0] =	sbarrier.arrive $0xFFFF  }
0x11d: {  	s26 =	simm.s32 $0x0;
	s28 =	rddreg [dreg:$0x17]  }
0x11e: {  	[tilespmem:s26], [sflag:$0x1] =	stream.linear.gather [spmem:s28], $0x2000, $0x38;
	[tilespmem:$0x1C260] =	vst v63  }
0x11f: {  	_ =	swait.ge [sflag:s3], $0x2000  }
0x120: {  	s30 =	simm.s32 $0x2710;
	[sflag:s3] =	ssyncset.done $0x0  }
0x121: {  	s4 =	simm.s32 $0x4E60;
	s29 =	rddreg [dreg:$0x18];
	[sflag:s3] =	ssyncadd.s32 $0xFFFFE000  }
0x122: {  	[tilespmem:s30], [sflag:$0x2] =	stream.linear.gather [spmem:s29], $0x2000, $0x38;
	[tilespmem:$0x1C260] =	vst v63  }
0x123: {  	s5 =	simm.s32 $0x40;
	v4 =	vld [tilespmem:s4+$0x30]  }
0x124: {  	v6 =	vld [tilespmem:s5+$0x30]  }
0x125: {  	v3 =	vld [tilespmem:s5+$0xFFFFFFC0]  }
0x126: {  	v8 =	vld [tilespmem:s4+$0xFFFFFFD0]  }
0x127: {  	v9 =	vld [tilespmem:s5+$0xFFFFFFD0]  }
0x128: {  	v10 =	vld [tilespmem:s4+$0xFFFFFFE0]  }
0x129: {  	v11 =	vld [tilespmem:s5+$0xFFFFFFE0]  }
0x12a: {  	v12 =	vld [tilespmem:s4+$0xFFFFFFF0]  }
0x12b: {  	v13 =	vld [tilespmem:s5+$0xFFFFFFF0]  }
0x12c: {  	v5 =	vld [tilespmem:s4+$0x0]  }
0x12d: {  	v7 =	vld [tilespmem:s5+$0x0];
	vm0 =	vgt.s32 v4, v6  }
0x12e: {  	v6 =	vsel vm0, v4, v6;
	vm0 =	vgt.s32 v8, v9;
	v4 =	vld [tilespmem:s4+$0x10]  }
0x12f: {  	[tilespmem:s4+$0x30] =	vst v6;
	v6 =	vsel vm0, v8, v9;
	vm0 =	vgt.s32 v10, v11;
	v8 =	vld [tilespmem:s5+$0x10]  }
0x130: {  	[tilespmem:s4+$0xFFFFFFD0] =	vst v6;
	v9 =	vsel vm0, v10, v11;
	vm0 =	vgt.s32 v12, v13;
	v6 =	vld [tilespmem:s4+$0x20]  }
0x131: {  	[tilespmem:s4+$0xFFFFFFE0] =	vst v9;
	v11 =	vsel vm0, v12, v13;
	v9 =	vld [tilespmem:s5+$0x20]  }
0x132: {  	s6 =	simm.s32 $0x0;
	s7 =	simm.s32 $0x4EE0;
	v10 =	vld [tilespmem:s4+$0xFFFFFFC0];
	vm0 =	vgt.s32 v5, v7;
	[tilespmem:s4+$0xFFFFFFF0] =	vst v11  }
.LBB2_26:
0x133: {  	v11 =	vld [tilespmem:s7+$0x30];
	v5 =	vsel vm0, v5, v7;
	s5 =	sadd.s32 $0x80, s5  }
0x134: {  	s6 =	sadd.s32 $0x8, s6;
	v7 =	vld [tilespmem:s5+$0x30];
	[tilespmem:s4+$0x0] =	vst v5;
	vm0 =	vgt.s32 v4, v8  }
0x135: {  	p2 =	slt.u32 s6, $0x1F8;
	v5 =	vld [tilespmem:s5+$0xFFFFFFC0];
	v4 =	vsel vm0, v4, v8  }
0x136: {  	v8 =	vld [tilespmem:s7+$0xFFFFFFD0];
	[tilespmem:s4+$0x10] =	vst v4;
	vm0 =	vgt.s32 v6, v9  }
0x137: {  	v4 =	vld [tilespmem:s5+$0xFFFFFFD0];
	vm1 =	vgt.s32 v10, v3;
	v6 =	vsel vm0, v6, v9  }
0x138: {  	v9 =	vld [tilespmem:s7+$0xFFFFFFE0];
	v12 =	vsel vm1, v10, v3;
	[tilespmem:s4+$0x20] =	vst v6  }
0x139: {  	v6 =	vld [tilespmem:s5+$0xFFFFFFE0];
	vm0 =	vgt.s32 v11, v7;
	[tilespmem:s4+$0xFFFFFFC0] =	vst v12;
	s4 =	smov.u32 s7  }
0x13a: {  	v10 =	vld [tilespmem:s7+$0xFFFFFFF0];
	v7 =	vsel vm0, v11, v7;
	v3 =	vmov v5  }
0x13b: {  	v11 =	vld [tilespmem:s5+$0xFFFFFFF0];
	[tilespmem:s7+$0x30] =	vst v7  }
0x13c: {  	vm0 =	vgt.s32 v8, v4;
	v5 =	vld [tilespmem:s7+$0x0]  }
0x13d: {  	v4 =	vsel vm0, v8, v4;
	v7 =	vld [tilespmem:s5+$0x0]  }
.Ltmp8:
0x13e: {  	[tilespmem:s7+$0xFFFFFFD0] =	vst v4;
	vm0 =	vgt.s32 v9, v6;
	v4 =	vld [tilespmem:s7+$0x10];
	(pc) =	sbr.rel @p2 .LBB2_26-.Ltmp8, $4  }
0x13f: {  	v6 =	vsel vm0, v9, v6;
	v8 =	vld [tilespmem:s5+$0x10]  }
0x140: {  	[tilespmem:s7+$0xFFFFFFE0] =	vst v6;
	vm0 =	vgt.s32 v10, v11;
	v6 =	vld [tilespmem:s7+$0x20]  }
0x141: {  	v11 =	vsel vm0, v10, v11;
	v9 =	vld [tilespmem:s5+$0x20]  }
0x142: {  	s7 =	sadd.s32 $0x80, s7;
	v10 =	vld [tilespmem:s4+$0xFFFFFFC0];
	[tilespmem:s4+$0xFFFFFFF0] =	vst v11;
	vm0 =	vgt.s32 v5, v7  }
0x143: {  	_ =	sdelay $0x1  }
0x144: {  	v5 =	vsel vm0, v5, v7;
	vm0 =	vgt.s32 v4, v8  }
0x145: {  	[tilespmem:s4+$0x0] =	vst v5;
	v4 =	vsel vm0, v4, v8;
	vm0 =	vgt.s32 v6, v9  }
0x146: {  	[tilespmem:s4+$0x10] =	vst v4;
	vm1 =	vgt.s32 v10, v3;
	v4 =	vsel vm0, v6, v9  }
0x147: {  	v3 =	vsel vm1, v10, v3;
	[tilespmem:s4+$0x20] =	vst v4  }
0x148: {  	[tilespmem:s4+$0xFFFFFFC0] =	vst v3  }
0x149: {  	_ =	swait.ge [sflag:s0], $0x2000  }
0x14a: {  	s1 =	simm.s32 $0x0;
	[sflag:s0] =	ssyncset.done $0x0  }
0x14b: {  	s4 =	simm.s32 $0x6E90;
	s2 =	rddreg [dreg:$0x19];
	[sflag:s0] =	ssyncadd.s32 $0xFFFFE000  }
0x14c: {  	[tilespmem:s1], [sflag:$0x1] =	stream.linear.gather [spmem:s2], $0x2000, $0x38;
	[tilespmem:$0x1C260] =	vst v63  }
0x14d: {  	s5 =	simm.s32 $0x2750;
	v4 =	vld [tilespmem:s4+$0x0]  }
0x14e: {  	v6 =	vld [tilespmem:s5+$0x30]  }
0x14f: {  	v3 =	vld [tilespmem:s5+$0xFFFFFFC0]  }
0x150: {  	v8 =	vld [tilespmem:s4+$0xFFFFFFA0]  }
0x151: {  	v9 =	vld [tilespmem:s5+$0xFFFFFFD0]  }
0x152: {  	v10 =	vld [tilespmem:s4+$0xFFFFFFB0]  }
0x153: {  	v11 =	vld [tilespmem:s5+$0xFFFFFFE0]  }
0x154: {  	v12 =	vld [tilespmem:s4+$0xFFFFFFC0]  }
0x155: {  	v13 =	vld [tilespmem:s5+$0xFFFFFFF0]  }
0x156: {  	v5 =	vld [tilespmem:s4+$0xFFFFFFD0]  }
0x157: {  	v7 =	vld [tilespmem:s5+$0x0];
	vm0 =	vgt.s32 v4, v6  }
0x158: {  	v6 =	vsel vm0, v4, v6;
	vm0 =	vgt.s32 v8, v9;
	v4 =	vld [tilespmem:s4+$0xFFFFFFE0]  }
0x159: {  	[tilespmem:s4+$0x0] =	vst v6;
	v6 =	vsel vm0, v8, v9;
	vm0 =	vgt.s32 v10, v11;
	v8 =	vld [tilespmem:s5+$0x10]  }
0x15a: {  	[tilespmem:s4+$0xFFFFFFA0] =	vst v6;
	v9 =	vsel vm0, v10, v11;
	vm0 =	vgt.s32 v12, v13;
	v6 =	vld [tilespmem:s4+$0xFFFFFFF0]  }
0x15b: {  	[tilespmem:s4+$0xFFFFFFB0] =	vst v9;
	v11 =	vsel vm0, v12, v13;
	v9 =	vld [tilespmem:s5+$0x20]  }
0x15c: {  	s6 =	simm.s32 $0x0;
	s7 =	simm.s32 $0x6F10;
	v10 =	vld [tilespmem:s4+$0xFFFFFF90];
	vm0 =	vgt.s32 v5, v7;
	[tilespmem:s4+$0xFFFFFFC0] =	vst v11  }
.LBB2_28:
0x15d: {  	v11 =	vld [tilespmem:s7+$0x0];
	v5 =	vsel vm0, v5, v7;
	s5 =	sadd.s32 $0x80, s5  }
0x15e: {  	s6 =	sadd.s32 $0x8, s6;
	v7 =	vld [tilespmem:s5+$0x30];
	[tilespmem:s4+$0xFFFFFFD0] =	vst v5;
	vm0 =	vgt.s32 v4, v8  }
0x15f: {  	p2 =	slt.u32 s6, $0x1F8;
	v5 =	vld [tilespmem:s5+$0xFFFFFFC0];
	v4 =	vsel vm0, v4, v8  }
0x160: {  	v8 =	vld [tilespmem:s7+$0xFFFFFFA0];
	[tilespmem:s4+$0xFFFFFFE0] =	vst v4;
	vm0 =	vgt.s32 v6, v9  }
0x161: {  	v4 =	vld [tilespmem:s5+$0xFFFFFFD0];
	vm1 =	vgt.s32 v10, v3;
	v6 =	vsel vm0, v6, v9  }
0x162: {  	v9 =	vld [tilespmem:s7+$0xFFFFFFB0];
	v12 =	vsel vm1, v10, v3;
	[tilespmem:s4+$0xFFFFFFF0] =	vst v6  }
0x163: {  	v6 =	vld [tilespmem:s5+$0xFFFFFFE0];
	vm0 =	vgt.s32 v11, v7;
	[tilespmem:s4+$0xFFFFFF90] =	vst v12;
	s4 =	smov.u32 s7  }
0x164: {  	v10 =	vld [tilespmem:s7+$0xFFFFFFC0];
	v7 =	vsel vm0, v11, v7;
	v3 =	vmov v5  }
0x165: {  	v11 =	vld [tilespmem:s5+$0xFFFFFFF0];
	[tilespmem:s7+$0x0] =	vst v7  }
0x166: {  	vm0 =	vgt.s32 v8, v4;
	v5 =	vld [tilespmem:s7+$0xFFFFFFD0]  }
0x167: {  	v4 =	vsel vm0, v8, v4;
	v7 =	vld [tilespmem:s5+$0x0]  }
.Ltmp9:
0x168: {  	[tilespmem:s7+$0xFFFFFFA0] =	vst v4;
	vm0 =	vgt.s32 v9, v6;
	v4 =	vld [tilespmem:s7+$0xFFFFFFE0];
	(pc) =	sbr.rel @p2 .LBB2_28-.Ltmp9, $4  }
0x169: {  	v6 =	vsel vm0, v9, v6;
	v8 =	vld [tilespmem:s5+$0x10]  }
0x16a: {  	[tilespmem:s7+$0xFFFFFFB0] =	vst v6;
	vm0 =	vgt.s32 v10, v11;
	v6 =	vld [tilespmem:s7+$0xFFFFFFF0]  }
0x16b: {  	v11 =	vsel vm0, v10, v11;
	v9 =	vld [tilespmem:s5+$0x20]  }
0x16c: {  	s7 =	sadd.s32 $0x80, s7;
	v10 =	vld [tilespmem:s4+$0xFFFFFF90];
	[tilespmem:s4+$0xFFFFFFC0] =	vst v11;
	vm0 =	vgt.s32 v5, v7  }
0x16d: {  	_ =	sdelay $0x1  }
0x16e: {  	v5 =	vsel vm0, v5, v7;
	vm0 =	vgt.s32 v4, v8  }
0x16f: {  	[tilespmem:s4+$0xFFFFFFD0] =	vst v5;
	v4 =	vsel vm0, v4, v8;
	vm0 =	vgt.s32 v6, v9  }
0x170: {  	[tilespmem:s4+$0xFFFFFFE0] =	vst v4;
	vm1 =	vgt.s32 v10, v3;
	v4 =	vsel vm0, v6, v9  }
0x171: {  	v3 =	vsel vm1, v10, v3;
	[tilespmem:s4+$0xFFFFFFF0] =	vst v4  }
0x172: {  	[tilespmem:s4+$0xFFFFFF90] =	vst v3  }
0x173: {  	_ =	swait.ge [sflag:s3], $0x2000  }
0x174: {  	s2 =	simm.s32 $0x2710;
	[sflag:s3] =	ssyncset.done $0x0  }
0x175: {  	s4 =	simm.s32 $0x0;
	s1 =	rddreg [dreg:$0x1a];
	[sflag:s3] =	ssyncadd.s32 $0xFFFFE000  }
0x176: {  	[tilespmem:s2], [sflag:$0x2] =	stream.linear.gather [spmem:s1], $0x2000, $0x38;
	[tilespmem:$0x1C260] =	vst v63  }
0x177: {  	v4 =	vld [tilespmem:s4+$0x8E90]  }
0x178: {  	v5 =	vld [tilespmem:s4+$0x70]  }
0x179: {  	v7 =	vld [tilespmem:s4+$0x8E20]  }
0x17a: {  	v8 =	vld [tilespmem:s4+$0x0]  }
0x17b: {  	v9 =	vld [tilespmem:s4+$0x8E30]  }
0x17c: {  	v10 =	vld [tilespmem:s4+$0x10]  }
0x17d: {  	v11 =	vld [tilespmem:s4+$0x8E40]  }
0x17e: {  	v12 =	vld [tilespmem:s4+$0x20]  }
0x17f: {  	v3 =	vld [tilespmem:s4+$0x8E50]  }
0x180: {  	v6 =	vld [tilespmem:s4+$0x30];
	vm0 =	vgt.s32 v4, v5  }
0x181: {  	v5 =	vsel vm0, v4, v5;
	vm0 =	vgt.s32 v7, v8;
	v4 =	vld [tilespmem:s4+$0x8E60]  }
0x182: {  	[tilespmem:s4+$0x8E90] =	vst v5;
	v5 =	vsel vm0, v7, v8;
	vm0 =	vgt.s32 v9, v10;
	v7 =	vld [tilespmem:s4+$0x40]  }
0x183: {  	[tilespmem:s4+$0x8E20] =	vst v5;
	v8 =	vsel vm0, v9, v10;
	vm0 =	vgt.s32 v11, v12;
	v5 =	vld [tilespmem:s4+$0x8E70]  }
0x184: {  	v9 =	vld [tilespmem:s4+$0x50];
	[tilespmem:s4+$0x8E30] =	vst v8;
	v8 =	vsel vm0, v11, v12  }
0x185: {  	s5 =	simm.s32 $0x0;
	s6 =	simm.s32 $0x200;
	vm0 =	vgt.s32 v3, v6;
	[tilespmem:s4+$0x8E40] =	vst v8;
	v8 =	vld [tilespmem:s4+$0x8E80]  }
.LBB2_30:
0x186: {  	s1 =	sshra.s32 s6, $0x2;
	v3 =	vsel vm0, v3, v6;
	v6 =	vld [tilespmem:s4+$0x60]  }
0x187: {  	s5 =	sadd.s32 $0x8, s5;
	v10 =	vld [tilespmem:s1+$0x8E90];
	[tilespmem:s4+$0x8E50] =	vst v3;
	vm0 =	vgt.s32 v4, v7  }
0x188: {  	p2 =	slt.u32 s5, $0x1F8;
	v3 =	vld [tilespmem:s1+$0x70];
	v4 =	vsel vm0, v4, v7  }
0x189: {  	v7 =	vld [tilespmem:s1+$0x8E20];
	[tilespmem:s4+$0x8E60] =	vst v4;
	vm0 =	vgt.s32 v5, v9  }
0x18a: {  	v4 =	vld [tilespmem:s1+$0x0];
	v5 =	vsel vm0, v5, v9  }
0x18b: {  	v9 =	vld [tilespmem:s1+$0x8E30];
	[tilespmem:s4+$0x8E70] =	vst v5;
	vm0 =	vgt.s32 v8, v6  }
0x18c: {  	v5 =	vld [tilespmem:s1+$0x10];
	v6 =	vsel vm0, v8, v6  }
0x18d: {  	v8 =	vld [tilespmem:s1+$0x8E40];
	vm0 =	vgt.s32 v10, v3;
	[tilespmem:s4+$0x8E80] =	vst v6;
	s4 =	smov.u32 s1  }
0x18e: {  	v11 =	vld [tilespmem:s4+$0x20];
	v6 =	vsel vm0, v10, v3  }
0x18f: {  	vm0 =	vgt.s32 v7, v4;
	v3 =	vld [tilespmem:s4+$0x8E50];
	[tilespmem:s4+$0x8E90] =	vst v6  }
0x190: {  	v4 =	vsel vm0, v7, v4;
	v6 =	vld [tilespmem:s4+$0x30]  }
.Ltmp10:
0x191: {  	[tilespmem:s4+$0x8E20] =	vst v4;
	vm0 =	vgt.s32 v9, v5;
	v4 =	vld [tilespmem:s4+$0x8E60];
	(pc) =	sbr.rel @p2 .LBB2_30-.Ltmp10, $4  }
0x192: {  	v5 =	vsel vm0, v9, v5;
	v7 =	vld [tilespmem:s4+$0x40]  }
0x193: {  	[tilespmem:s4+$0x8E30] =	vst v5;
	vm0 =	vgt.s32 v8, v11;
	v5 =	vld [tilespmem:s4+$0x8E70]  }
0x194: {  	v8 =	vsel vm0, v8, v11;
	v9 =	vld [tilespmem:s4+$0x50]  }
0x195: {  	s6 =	sadd.s32 $0x200, s6;
	[tilespmem:s4+$0x8E40] =	vst v8;
	vm0 =	vgt.s32 v3, v6;
	v8 =	vld [tilespmem:s4+$0x8E80]  }
0x196: {  	v10 =	vld [tilespmem:s4+$0x60];
	_ =	sdelay $0x2  }
0x197: {  	v3 =	vsel vm0, v3, v6;
	vm0 =	vgt.s32 v4, v7  }
0x198: {  	[tilespmem:s4+$0x8E50] =	vst v3;
	v3 =	vsel vm0, v4, v7;
	vm0 =	vgt.s32 v5, v9  }
0x199: {  	[tilespmem:s4+$0x8E60] =	vst v3;
	v3 =	vsel vm0, v5, v9;
	vm0 =	vgt.s32 v8, v10  }
0x19a: {  	[tilespmem:s4+$0x8E70] =	vst v3;
	v3 =	vsel vm0, v8, v10  }
0x19b: {  	[tilespmem:s4+$0x8E80] =	vst v3  }
0x19c: {  	_ =	swait.ge [sflag:s0], $0x2000  }
0x19d: {  	[sflag:s0] =	ssyncset.done $0x0  }
0x19e: {  	s4 =	simm.s32 $0x0;
	[sflag:s0] =	ssyncadd.s32 $0xFFFFE000  }
0x19f: {  	v4 =	vld [tilespmem:s4+$0xAE90]  }
0x1a0: {  	v5 =	vld [tilespmem:s4+$0x2780]  }
0x1a1: {  	v7 =	vld [tilespmem:s4+$0xAE20]  }
0x1a2: {  	v8 =	vld [tilespmem:s4+$0x2710]  }
0x1a3: {  	v9 =	vld [tilespmem:s4+$0xAE30]  }
0x1a4: {  	v10 =	vld [tilespmem:s4+$0x2720]  }
0x1a5: {  	v11 =	vld [tilespmem:s4+$0xAE40]  }
0x1a6: {  	v12 =	vld [tilespmem:s4+$0x2730]  }
0x1a7: {  	v3 =	vld [tilespmem:s4+$0xAE50]  }
0x1a8: {  	v6 =	vld [tilespmem:s4+$0x2740];
	vm0 =	vgt.s32 v4, v5  }
0x1a9: {  	v5 =	vsel vm0, v4, v5;
	vm0 =	vgt.s32 v7, v8;
	v4 =	vld [tilespmem:s4+$0xAE60]  }
0x1aa: {  	[tilespmem:s4+$0xAE90] =	vst v5;
	v5 =	vsel vm0, v7, v8;
	vm0 =	vgt.s32 v9, v10;
	v7 =	vld [tilespmem:s4+$0x2750]  }
0x1ab: {  	[tilespmem:s4+$0xAE20] =	vst v5;
	v8 =	vsel vm0, v9, v10;
	vm0 =	vgt.s32 v11, v12;
	v5 =	vld [tilespmem:s4+$0xAE70]  }
0x1ac: {  	v9 =	vld [tilespmem:s4+$0x2760];
	[tilespmem:s4+$0xAE30] =	vst v8;
	v8 =	vsel vm0, v11, v12  }
0x1ad: {  	s5 =	simm.s32 $0x0;
	s6 =	simm.s32 $0x200;
	vm0 =	vgt.s32 v3, v6;
	[tilespmem:s4+$0xAE40] =	vst v8;
	v8 =	vld [tilespmem:s4+$0xAE80]  }
.LBB2_32:
0x1ae: {  	s1 =	sshra.s32 s6, $0x2;
	v3 =	vsel vm0, v3, v6;
	v6 =	vld [tilespmem:s4+$0x2770]  }
0x1af: {  	s5 =	sadd.s32 $0x8, s5;
	v10 =	vld [tilespmem:s1+$0xAE90];
	[tilespmem:s4+$0xAE50] =	vst v3;
	vm0 =	vgt.s32 v4, v7  }
0x1b0: {  	p2 =	slt.u32 s5, $0x1F8;
	v3 =	vld [tilespmem:s1+$0x2780];
	v4 =	vsel vm0, v4, v7  }
0x1b1: {  	v7 =	vld [tilespmem:s1+$0xAE20];
	[tilespmem:s4+$0xAE60] =	vst v4;
	vm0 =	vgt.s32 v5, v9  }
0x1b2: {  	v4 =	vld [tilespmem:s1+$0x2710];
	v5 =	vsel vm0, v5, v9  }
0x1b3: {  	v9 =	vld [tilespmem:s1+$0xAE30];
	[tilespmem:s4+$0xAE70] =	vst v5;
	vm0 =	vgt.s32 v8, v6  }
0x1b4: {  	v5 =	vld [tilespmem:s1+$0x2720];
	v6 =	vsel vm0, v8, v6  }
0x1b5: {  	v8 =	vld [tilespmem:s1+$0xAE40];
	vm0 =	vgt.s32 v10, v3;
	[tilespmem:s4+$0xAE80] =	vst v6;
	s4 =	smov.u32 s1  }
0x1b6: {  	v11 =	vld [tilespmem:s4+$0x2730];
	v6 =	vsel vm0, v10, v3  }
0x1b7: {  	vm0 =	vgt.s32 v7, v4;
	v3 =	vld [tilespmem:s4+$0xAE50];
	[tilespmem:s4+$0xAE90] =	vst v6  }
0x1b8: {  	v4 =	vsel vm0, v7, v4;
	v6 =	vld [tilespmem:s4+$0x2740]  }
.Ltmp11:
0x1b9: {  	[tilespmem:s4+$0xAE20] =	vst v4;
	vm0 =	vgt.s32 v9, v5;
	v4 =	vld [tilespmem:s4+$0xAE60];
	(pc) =	sbr.rel @p2 .LBB2_32-.Ltmp11, $4  }
0x1ba: {  	v5 =	vsel vm0, v9, v5;
	v7 =	vld [tilespmem:s4+$0x2750]  }
0x1bb: {  	[tilespmem:s4+$0xAE30] =	vst v5;
	vm0 =	vgt.s32 v8, v11;
	v5 =	vld [tilespmem:s4+$0xAE70]  }
0x1bc: {  	v8 =	vsel vm0, v8, v11;
	v9 =	vld [tilespmem:s4+$0x2760]  }
0x1bd: {  	s6 =	sadd.s32 $0x200, s6;
	[tilespmem:s4+$0xAE40] =	vst v8;
	vm0 =	vgt.s32 v3, v6;
	v8 =	vld [tilespmem:s4+$0xAE80]  }
0x1be: {  	v10 =	vld [tilespmem:s4+$0x2770];
	_ =	sdelay $0x2  }
0x1bf: {  	v3 =	vsel vm0, v3, v6;
	vm13 =	vgt.s32 v4, v7  }
0x1c0: {  	[tilespmem:s4+$0xAE50] =	vst v3;
	v3 =	vsel vm13, v4, v7;
	vm14 =	vgt.s32 v5, v9  }
0x1c1: {  	[tilespmem:s4+$0xAE60] =	vst v3;
	v3 =	vsel vm14, v5, v9;
	vm15 =	vgt.s32 v8, v10  }
0x1c2: {  	[tilespmem:s4+$0xAE70] =	vst v3;
	v3 =	vsel vm15, v8, v10  }
0x1c3: {  	[tilespmem:s4+$0xAE80] =	vst v3  }
.Ltmp12:
0x1c4: {  	s1 =	simm.s32 $0x0;
	s2 =	rddreg [dreg:$0xf];
	(pc) =	sbr.rel .LBB2_34-.Ltmp12, $4  }
0x1c5: {  	[hbm4b:s2+s1] =	stream.linear.scatter [tilespmem:s31], [sflag:$0x3], $0x8000, $0x38;
	[tilespmem:$0x1C260] =	vst v63  }
0x1c6: {  	_ =	swait.ge [sflag:s9], $0x8000  }
0x1c7: {  	[sflag:s9] =	ssyncset.done $0x0  }
0x1c8: {  	s2 =	rddreg [dreg:$0x1b];
	[sflag:s9] =	ssyncadd.s32 $0xFFFF8000  }
.LBB2_12:
0x1c9: {  	s1 =	rddreg [dreg:$0x8];
	s9 =	simm.s32 $0x3  }
0x1ca: {  	[spmem:s1] =	stream.linear.scatter [tilespmem:s31], [sflag:$0x3], $0x8000, $0x38;
	[tilespmem:$0x1C260] =	vst v63  }
0x1cb: {  	_ =	swait.ge [sflag:s9], $0x8000  }
0x1cc: {  	[sflag:s9] =	ssyncset.done $0x0  }
0x1cd: {  	[sflag:s9] =	ssyncadd.s32 $0xFFFF8000  }
0x1ce: {  	[bflag:$0x0] =	sbarrier.arrive $0xFFFF  }
0x1cf: {  	s28 =	simm.s32 $0x0;
	s2 =	rddreg [dreg:$0x9]  }
0x1d0: {  	[tilespmem:s28], [sflag:$0x1] =	stream.linear.gather [spmem:s2], $0x1360, $0x38;
	[tilespmem:$0x1C260] =	vst v63  }
0x1d1: {  	_ =	swait.ge [sflag:s3], $0x1360  }
0x1d2: {  	s30 =	simm.s32 $0x2710;
	[sflag:s3] =	ssyncset.done $0x0  }
0x1d3: {  	s4 =	simm.s32 $0xCE20;
	s29 =	rddreg [dreg:$0xa];
	[sflag:s3] =	ssyncadd.s32 $0xFFFFECA0  }
0x1d4: {  	[tilespmem:s30], [sflag:$0x2] =	stream.linear.gather [spmem:s29], $0x1360, $0x38;
	[tilespmem:$0x1C260] =	vst v63  }
0x1d5: {  	s5 =	simm.s32 $0x20;
	v8 =	vld [tilespmem:s4+$0x40]  }
0x1d6: {  	v10 =	vld [tilespmem:s5+$0x20]  }
0x1d7: {  	v3 =	vld [tilespmem:s5+$0xFFFFFFE0]  }
0x1d8: {  	v6 =	vld [tilespmem:s4+$0x10]  }
0x1d9: {  	v9 =	vld [tilespmem:s5+$0xFFFFFFF0]  }
0x1da: {  	v4 =	vld [tilespmem:s4+$0x20]  }
0x1db: {  	v7 =	vld [tilespmem:s5+$0x0]  }
0x1dc: {  	v5 =	vld [tilespmem:s4+$0x30];
	vm0 =	vgt.s32 v8, v10  }
0x1dd: {  	v10 =	vsel vm0, v8, v10;
	v8 =	vld [tilespmem:s5+$0x10]  }
0x1de: {  	s6 =	simm.s32 $0x0;
	s7 =	simm.s32 $0xCE70;
	vm0 =	vgt.s32 v6, v9;
	[tilespmem:s4+$0x40] =	vst v10;
	v10 =	vld [tilespmem:s4+$0x0]  }
.LBB2_13:
0x1df: {  	v11 =	vld [tilespmem:s7+$0x40];
	v6 =	vsel vm0, v6, v9;
	s5 =	sadd.s32 $0x50, s5  }
0x1e0: {  	s6 =	sadd.s32 $0x5, s6;
	v12 =	vld [tilespmem:s5+$0x20];
	[tilespmem:s4+$0x10] =	vst v6;
	vm0 =	vgt.s32 v4, v7  }
0x1e1: {  	p2 =	slt.u32 s6, $0x131;
	v13 =	vld [tilespmem:s5+$0xFFFFFFE0];
	v4 =	vsel vm0, v4, v7  }
0x1e2: {  	v6 =	vld [tilespmem:s7+$0x10];
	[tilespmem:s4+$0x20] =	vst v4;
	vm0 =	vgt.s32 v5, v8  }
0x1e3: {  	v9 =	vld [tilespmem:s5+$0xFFFFFFF0];
	vm1 =	vgt.s32 v10, v3;
	v5 =	vsel vm0, v5, v8  }
.Ltmp13:
0x1e4: {  	v4 =	vld [tilespmem:s7+$0x20];
	v8 =	vsel vm1, v10, v3;
	[tilespmem:s4+$0x30] =	vst v5;
	(pc) =	sbr.rel @p2 .LBB2_13-.Ltmp13, $4  }
0x1e5: {  	v7 =	vld [tilespmem:s5+$0x0];
	vm0 =	vgt.s32 v11, v12;
	[tilespmem:s4+$0x0] =	vst v8;
	s4 =	smov.u32 s7  }
0x1e6: {  	v5 =	vld [tilespmem:s7+$0x30];
	v10 =	vsel vm0, v11, v12;
	v3 =	vmov v13  }
0x1e7: {  	v8 =	vld [tilespmem:s5+$0x10];
	[tilespmem:s7+$0x40] =	vst v10  }
0x1e8: {  	s7 =	sadd.s32 $0x50, s7;
	v10 =	vld [tilespmem:s4+$0x0];
	vm0 =	vgt.s32 v6, v9  }
0x1e9: {  	_ =	sdelay $0x1  }
0x1ea: {  	v6 =	vsel vm0, v6, v9;
	vm0 =	vgt.s32 v4, v7  }
0x1eb: {  	[tilespmem:s4+$0x10] =	vst v6;
	v4 =	vsel vm0, v4, v7;
	vm0 =	vgt.s32 v5, v8  }
0x1ec: {  	[tilespmem:s4+$0x20] =	vst v4;
	vm1 =	vgt.s32 v10, v3;
	v4 =	vsel vm0, v5, v8  }
0x1ed: {  	v3 =	vsel vm1, v10, v3;
	[tilespmem:s4+$0x30] =	vst v4  }
0x1ee: {  	[tilespmem:s4+$0x0] =	vst v3  }
0x1ef: {  	_ =	swait.ge [sflag:s0], $0x1360  }
0x1f0: {  	s1 =	simm.s32 $0x0;
	[sflag:s0] =	ssyncset.done $0x0  }
0x1f1: {  	s4 =	simm.s32 $0xE180;
	s2 =	rddreg [dreg:$0xb];
	[sflag:s0] =	ssyncadd.s32 $0xFFFFECA0  }
0x1f2: {  	[tilespmem:s1], [sflag:$0x1] =	stream.linear.gather [spmem:s2], $0x1360, $0x38;
	[tilespmem:$0x1C260] =	vst v63  }
0x1f3: {  	s5 =	simm.s32 $0x2730;
	v8 =	vld [tilespmem:s4+$0x40]  }
0x1f4: {  	v10 =	vld [tilespmem:s5+$0x20]  }
0x1f5: {  	v3 =	vld [tilespmem:s5+$0xFFFFFFE0]  }
0x1f6: {  	v6 =	vld [tilespmem:s4+$0x10]  }
0x1f7: {  	v9 =	vld [tilespmem:s5+$0xFFFFFFF0]  }
0x1f8: {  	v4 =	vld [tilespmem:s4+$0x20]  }
0x1f9: {  	v7 =	vld [tilespmem:s5+$0x0]  }
0x1fa: {  	v5 =	vld [tilespmem:s4+$0x30];
	vm0 =	vgt.s32 v8, v10  }
0x1fb: {  	v10 =	vsel vm0, v8, v10;
	v8 =	vld [tilespmem:s5+$0x10]  }
0x1fc: {  	s6 =	simm.s32 $0x0;
	s7 =	simm.s32 $0xE1D0;
	vm0 =	vgt.s32 v6, v9;
	[tilespmem:s4+$0x40] =	vst v10;
	v10 =	vld [tilespmem:s4+$0x0]  }
.LBB2_15:
0x1fd: {  	v11 =	vld [tilespmem:s7+$0x40];
	v6 =	vsel vm0, v6, v9;
	s5 =	sadd.s32 $0x50, s5  }
0x1fe: {  	s6 =	sadd.s32 $0x5, s6;
	v12 =	vld [tilespmem:s5+$0x20];
	[tilespmem:s4+$0x10] =	vst v6;
	vm0 =	vgt.s32 v4, v7  }
0x1ff: {  	p2 =	slt.u32 s6, $0x131;
	v13 =	vld [tilespmem:s5+$0xFFFFFFE0];
	v4 =	vsel vm0, v4, v7  }
0x200: {  	v6 =	vld [tilespmem:s7+$0x10];
	[tilespmem:s4+$0x20] =	vst v4;
	vm0 =	vgt.s32 v5, v8  }
0x201: {  	v9 =	vld [tilespmem:s5+$0xFFFFFFF0];
	vm1 =	vgt.s32 v10, v3;
	v5 =	vsel vm0, v5, v8  }
.Ltmp14:
0x202: {  	v4 =	vld [tilespmem:s7+$0x20];
	v8 =	vsel vm1, v10, v3;
	[tilespmem:s4+$0x30] =	vst v5;
	(pc) =	sbr.rel @p2 .LBB2_15-.Ltmp14, $4  }
0x203: {  	v7 =	vld [tilespmem:s5+$0x0];
	vm0 =	vgt.s32 v11, v12;
	[tilespmem:s4+$0x0] =	vst v8;
	s4 =	smov.u32 s7  }
0x204: {  	v5 =	vld [tilespmem:s7+$0x30];
	v10 =	vsel vm0, v11, v12;
	v3 =	vmov v13  }
0x205: {  	v8 =	vld [tilespmem:s5+$0x10];
	[tilespmem:s7+$0x40] =	vst v10  }
0x206: {  	s7 =	sadd.s32 $0x50, s7;
	v10 =	vld [tilespmem:s4+$0x0];
	vm0 =	vgt.s32 v6, v9  }
0x207: {  	_ =	sdelay $0x1  }
0x208: {  	v6 =	vsel vm0, v6, v9;
	vm0 =	vgt.s32 v4, v7  }
0x209: {  	[tilespmem:s4+$0x10] =	vst v6;
	v4 =	vsel vm0, v4, v7;
	vm0 =	vgt.s32 v5, v8  }
0x20a: {  	[tilespmem:s4+$0x20] =	vst v4;
	vm1 =	vgt.s32 v10, v3;
	v4 =	vsel vm0, v5, v8  }
0x20b: {  	v3 =	vsel vm1, v10, v3;
	[tilespmem:s4+$0x30] =	vst v4  }
0x20c: {  	[tilespmem:s4+$0x0] =	vst v3  }
0x20d: {  	_ =	swait.ge [sflag:s3], $0x1360  }
0x20e: {  	s2 =	simm.s32 $0x2710;
	[sflag:s3] =	ssyncset.done $0x0  }
0x20f: {  	s4 =	simm.s32 $0xF4E0;
	s1 =	rddreg [dreg:$0xc];
	[sflag:s3] =	ssyncadd.s32 $0xFFFFECA0  }
0x210: {  	[tilespmem:s2], [sflag:$0x2] =	stream.linear.gather [spmem:s1], $0x1360, $0x38;
	[tilespmem:$0x1C260] =	vst v63  }
0x211: {  	s5 =	simm.s32 $0x20;
	v8 =	vld [tilespmem:s4+$0x40]  }
0x212: {  	v10 =	vld [tilespmem:s5+$0x20]  }
0x213: {  	v3 =	vld [tilespmem:s5+$0xFFFFFFE0]  }
0x214: {  	v6 =	vld [tilespmem:s4+$0x10]  }
0x215: {  	v9 =	vld [tilespmem:s5+$0xFFFFFFF0]  }
0x216: {  	v4 =	vld [tilespmem:s4+$0x20]  }
0x217: {  	v7 =	vld [tilespmem:s5+$0x0]  }
0x218: {  	v5 =	vld [tilespmem:s4+$0x30];
	vm0 =	vgt.s32 v8, v10  }
0x219: {  	v10 =	vsel vm0, v8, v10;
	v8 =	vld [tilespmem:s5+$0x10]  }
0x21a: {  	s6 =	simm.s32 $0x0;
	s7 =	simm.s32 $0xF530;
	vm0 =	vgt.s32 v6, v9;
	[tilespmem:s4+$0x40] =	vst v10;
	v10 =	vld [tilespmem:s4+$0x0]  }
.LBB2_17:
0x21b: {  	v11 =	vld [tilespmem:s7+$0x40];
	v6 =	vsel vm0, v6, v9;
	s5 =	sadd.s32 $0x50, s5  }
0x21c: {  	s6 =	sadd.s32 $0x5, s6;
	v12 =	vld [tilespmem:s5+$0x20];
	[tilespmem:s4+$0x10] =	vst v6;
	vm0 =	vgt.s32 v4, v7  }
0x21d: {  	p2 =	slt.u32 s6, $0x131;
	v13 =	vld [tilespmem:s5+$0xFFFFFFE0];
	v4 =	vsel vm0, v4, v7  }
0x21e: {  	v6 =	vld [tilespmem:s7+$0x10];
	[tilespmem:s4+$0x20] =	vst v4;
	vm0 =	vgt.s32 v5, v8  }
0x21f: {  	v9 =	vld [tilespmem:s5+$0xFFFFFFF0];
	vm1 =	vgt.s32 v10, v3;
	v5 =	vsel vm0, v5, v8  }
.Ltmp15:
0x220: {  	v4 =	vld [tilespmem:s7+$0x20];
	v8 =	vsel vm1, v10, v3;
	[tilespmem:s4+$0x30] =	vst v5;
	(pc) =	sbr.rel @p2 .LBB2_17-.Ltmp15, $4  }
0x221: {  	v7 =	vld [tilespmem:s5+$0x0];
	vm0 =	vgt.s32 v11, v12;
	[tilespmem:s4+$0x0] =	vst v8;
	s4 =	smov.u32 s7  }
0x222: {  	v5 =	vld [tilespmem:s7+$0x30];
	v10 =	vsel vm0, v11, v12;
	v3 =	vmov v13  }
0x223: {  	v8 =	vld [tilespmem:s5+$0x10];
	[tilespmem:s7+$0x40] =	vst v10  }
0x224: {  	s7 =	sadd.s32 $0x50, s7;
	v10 =	vld [tilespmem:s4+$0x0];
	vm0 =	vgt.s32 v6, v9  }
0x225: {  	_ =	sdelay $0x1  }
0x226: {  	v6 =	vsel vm0, v6, v9;
	vm0 =	vgt.s32 v4, v7  }
0x227: {  	[tilespmem:s4+$0x10] =	vst v6;
	v4 =	vsel vm0, v4, v7;
	vm0 =	vgt.s32 v5, v8  }
0x228: {  	[tilespmem:s4+$0x20] =	vst v4;
	vm1 =	vgt.s32 v10, v3;
	v4 =	vsel vm0, v5, v8  }
0x229: {  	v3 =	vsel vm1, v10, v3;
	[tilespmem:s4+$0x30] =	vst v4  }
0x22a: {  	[tilespmem:s4+$0x0] =	vst v3  }
0x22b: {  	_ =	swait.ge [sflag:s0], $0x1360  }
0x22c: {  	s1 =	simm.s32 $0x0;
	[sflag:s0] =	ssyncset.done $0x0  }
0x22d: {  	s4 =	simm.s32 $0x10840;
	s2 =	rddreg [dreg:$0xd];
	[sflag:s0] =	ssyncadd.s32 $0xFFFFECA0  }
0x22e: {  	[tilespmem:s1], [sflag:$0x1] =	stream.linear.gather [spmem:s2], $0x1360, $0x38;
	[tilespmem:$0x1C260] =	vst v63  }
0x22f: {  	s5 =	simm.s32 $0x2730;
	v8 =	vld [tilespmem:s4+$0x40]  }
0x230: {  	v10 =	vld [tilespmem:s5+$0x20]  }
0x231: {  	v3 =	vld [tilespmem:s5+$0xFFFFFFE0]  }
0x232: {  	v6 =	vld [tilespmem:s4+$0x10]  }
0x233: {  	v9 =	vld [tilespmem:s5+$0xFFFFFFF0]  }
0x234: {  	v4 =	vld [tilespmem:s4+$0x20]  }
0x235: {  	v7 =	vld [tilespmem:s5+$0x0]  }
0x236: {  	v5 =	vld [tilespmem:s4+$0x30];
	vm0 =	vgt.s32 v8, v10  }
0x237: {  	v10 =	vsel vm0, v8, v10;
	v8 =	vld [tilespmem:s5+$0x10]  }
0x238: {  	s6 =	simm.s32 $0x0;
	s7 =	simm.s32 $0x10890;
	vm0 =	vgt.s32 v6, v9;
	[tilespmem:s4+$0x40] =	vst v10;
	v10 =	vld [tilespmem:s4+$0x0]  }
.LBB2_19:
0x239: {  	v11 =	vld [tilespmem:s7+$0x40];
	v6 =	vsel vm0, v6, v9;
	s5 =	sadd.s32 $0x50, s5  }
0x23a: {  	s6 =	sadd.s32 $0x5, s6;
	v12 =	vld [tilespmem:s5+$0x20];
	[tilespmem:s4+$0x10] =	vst v6;
	vm0 =	vgt.s32 v4, v7  }
0x23b: {  	p2 =	slt.u32 s6, $0x131;
	v13 =	vld [tilespmem:s5+$0xFFFFFFE0];
	v4 =	vsel vm0, v4, v7  }
0x23c: {  	v6 =	vld [tilespmem:s7+$0x10];
	[tilespmem:s4+$0x20] =	vst v4;
	vm0 =	vgt.s32 v5, v8  }
0x23d: {  	v9 =	vld [tilespmem:s5+$0xFFFFFFF0];
	vm1 =	vgt.s32 v10, v3;
	v5 =	vsel vm0, v5, v8  }
.Ltmp16:
0x23e: {  	v4 =	vld [tilespmem:s7+$0x20];
	v8 =	vsel vm1, v10, v3;
	[tilespmem:s4+$0x30] =	vst v5;
	(pc) =	sbr.rel @p2 .LBB2_19-.Ltmp16, $4  }
0x23f: {  	v7 =	vld [tilespmem:s5+$0x0];
	vm0 =	vgt.s32 v11, v12;
	[tilespmem:s4+$0x0] =	vst v8;
	s4 =	smov.u32 s7  }
0x240: {  	v5 =	vld [tilespmem:s7+$0x30];
	v10 =	vsel vm0, v11, v12;
	v3 =	vmov v13  }
0x241: {  	v8 =	vld [tilespmem:s5+$0x10];
	[tilespmem:s7+$0x40] =	vst v10  }
0x242: {  	s7 =	sadd.s32 $0x50, s7;
	v10 =	vld [tilespmem:s4+$0x0];
	vm0 =	vgt.s32 v6, v9  }
0x243: {  	_ =	sdelay $0x1  }
0x244: {  	v6 =	vsel vm0, v6, v9;
	vm0 =	vgt.s32 v4, v7  }
0x245: {  	[tilespmem:s4+$0x10] =	vst v6;
	v4 =	vsel vm0, v4, v7;
	vm0 =	vgt.s32 v5, v8  }
0x246: {  	[tilespmem:s4+$0x20] =	vst v4;
	vm1 =	vgt.s32 v10, v3;
	v4 =	vsel vm0, v5, v8  }
0x247: {  	v3 =	vsel vm1, v10, v3;
	[tilespmem:s4+$0x30] =	vst v4  }
0x248: {  	[tilespmem:s4+$0x0] =	vst v3  }
0x249: {  	_ =	swait.ge [sflag:s3], $0x1360  }
0x24a: {  	s2 =	simm.s32 $0x2710;
	[sflag:s3] =	ssyncset.done $0x0  }
0x24b: {  	s4 =	simm.s32 $0x11BA0;
	s1 =	rddreg [dreg:$0x10];
	[sflag:s3] =	ssyncadd.s32 $0xFFFFECA0  }
0x24c: {  	[tilespmem:s2], [sflag:$0x2] =	stream.linear.gather [spmem:s1], $0x1360, $0x38;
	[tilespmem:$0x1C260] =	vst v63  }
0x24d: {  	s5 =	simm.s32 $0x20;
	v8 =	vld [tilespmem:s4+$0x40]  }
0x24e: {  	v10 =	vld [tilespmem:s5+$0x20]  }
0x24f: {  	v3 =	vld [tilespmem:s5+$0xFFFFFFE0]  }
0x250: {  	v6 =	vld [tilespmem:s4+$0x10]  }
0x251: {  	v9 =	vld [tilespmem:s5+$0xFFFFFFF0]  }
0x252: {  	v4 =	vld [tilespmem:s4+$0x20]  }
0x253: {  	v7 =	vld [tilespmem:s5+$0x0]  }
0x254: {  	v5 =	vld [tilespmem:s4+$0x30];
	vm0 =	vgt.s32 v8, v10  }
0x255: {  	v10 =	vsel vm0, v8, v10;
	v8 =	vld [tilespmem:s5+$0x10]  }
0x256: {  	s6 =	simm.s32 $0x0;
	s7 =	simm.s32 $0x11BF0;
	vm0 =	vgt.s32 v6, v9;
	[tilespmem:s4+$0x40] =	vst v10;
	v10 =	vld [tilespmem:s4+$0x0]  }
.LBB2_21:
0x257: {  	v11 =	vld [tilespmem:s7+$0x40];
	v6 =	vsel vm0, v6, v9;
	s5 =	sadd.s32 $0x50, s5  }
0x258: {  	s6 =	sadd.s32 $0x5, s6;
	v12 =	vld [tilespmem:s5+$0x20];
	[tilespmem:s4+$0x10] =	vst v6;
	vm0 =	vgt.s32 v4, v7  }
0x259: {  	p2 =	slt.u32 s6, $0x131;
	v13 =	vld [tilespmem:s5+$0xFFFFFFE0];
	v4 =	vsel vm0, v4, v7  }
0x25a: {  	v6 =	vld [tilespmem:s7+$0x10];
	[tilespmem:s4+$0x20] =	vst v4;
	vm0 =	vgt.s32 v5, v8  }
0x25b: {  	v9 =	vld [tilespmem:s5+$0xFFFFFFF0];
	vm1 =	vgt.s32 v10, v3;
	v5 =	vsel vm0, v5, v8  }
.Ltmp17:
0x25c: {  	v4 =	vld [tilespmem:s7+$0x20];
	v8 =	vsel vm1, v10, v3;
	[tilespmem:s4+$0x30] =	vst v5;
	(pc) =	sbr.rel @p2 .LBB2_21-.Ltmp17, $4  }
0x25d: {  	v7 =	vld [tilespmem:s5+$0x0];
	vm0 =	vgt.s32 v11, v12;
	[tilespmem:s4+$0x0] =	vst v8;
	s4 =	smov.u32 s7  }
0x25e: {  	v5 =	vld [tilespmem:s7+$0x30];
	v10 =	vsel vm0, v11, v12;
	v3 =	vmov v13  }
0x25f: {  	v8 =	vld [tilespmem:s5+$0x10];
	[tilespmem:s7+$0x40] =	vst v10  }
0x260: {  	s7 =	sadd.s32 $0x50, s7;
	v10 =	vld [tilespmem:s4+$0x0];
	vm0 =	vgt.s32 v6, v9  }
0x261: {  	_ =	sdelay $0x1  }
0x262: {  	v6 =	vsel vm0, v6, v9;
	vm0 =	vgt.s32 v4, v7  }
0x263: {  	[tilespmem:s4+$0x10] =	vst v6;
	v4 =	vsel vm0, v4, v7;
	vm0 =	vgt.s32 v5, v8  }
0x264: {  	[tilespmem:s4+$0x20] =	vst v4;
	vm1 =	vgt.s32 v10, v3;
	v4 =	vsel vm0, v5, v8  }
0x265: {  	v3 =	vsel vm1, v10, v3;
	[tilespmem:s4+$0x30] =	vst v4  }
0x266: {  	[tilespmem:s4+$0x0] =	vst v3  }
0x267: {  	_ =	swait.ge [sflag:s0], $0x1360  }
0x268: {  	[sflag:s0] =	ssyncset.done $0x0  }
0x269: {  	s4 =	simm.s32 $0x12F00;
	[sflag:s0] =	ssyncadd.s32 $0xFFFFECA0  }
0x26a: {  	s5 =	simm.s32 $0x2730;
	v8 =	vld [tilespmem:s4+$0x40]  }
0x26b: {  	v10 =	vld [tilespmem:s5+$0x20]  }
0x26c: {  	v3 =	vld [tilespmem:s5+$0xFFFFFFE0]  }
0x26d: {  	v6 =	vld [tilespmem:s4+$0x10]  }
0x26e: {  	v9 =	vld [tilespmem:s5+$0xFFFFFFF0]  }
0x26f: {  	v4 =	vld [tilespmem:s4+$0x20]  }
0x270: {  	v7 =	vld [tilespmem:s5+$0x0]  }
0x271: {  	v5 =	vld [tilespmem:s4+$0x30];
	vm0 =	vgt.s32 v8, v10  }
0x272: {  	v10 =	vsel vm0, v8, v10;
	v8 =	vld [tilespmem:s5+$0x10]  }
0x273: {  	s6 =	simm.s32 $0x0;
	s7 =	simm.s32 $0x12F50;
	vm0 =	vgt.s32 v6, v9;
	[tilespmem:s4+$0x40] =	vst v10;
	v10 =	vld [tilespmem:s4+$0x0]  }
.LBB2_23:
0x274: {  	v11 =	vld [tilespmem:s7+$0x40];
	v6 =	vsel vm0, v6, v9;
	s5 =	sadd.s32 $0x50, s5  }
0x275: {  	s6 =	sadd.s32 $0x5, s6;
	v12 =	vld [tilespmem:s5+$0x20];
	[tilespmem:s4+$0x10] =	vst v6;
	vm0 =	vgt.s32 v4, v7  }
0x276: {  	p2 =	slt.u32 s6, $0x131;
	v13 =	vld [tilespmem:s5+$0xFFFFFFE0];
	v4 =	vsel vm0, v4, v7  }
0x277: {  	v6 =	vld [tilespmem:s7+$0x10];
	[tilespmem:s4+$0x20] =	vst v4;
	vm0 =	vgt.s32 v5, v8  }
0x278: {  	v9 =	vld [tilespmem:s5+$0xFFFFFFF0];
	vm1 =	vgt.s32 v10, v3;
	v5 =	vsel vm0, v5, v8  }
.Ltmp18:
0x279: {  	v4 =	vld [tilespmem:s7+$0x20];
	v8 =	vsel vm1, v10, v3;
	[tilespmem:s4+$0x30] =	vst v5;
	(pc) =	sbr.rel @p2 .LBB2_23-.Ltmp18, $4  }
0x27a: {  	v7 =	vld [tilespmem:s5+$0x0];
	vm0 =	vgt.s32 v11, v12;
	[tilespmem:s4+$0x0] =	vst v8;
	s4 =	smov.u32 s7  }
0x27b: {  	v5 =	vld [tilespmem:s7+$0x30];
	v10 =	vsel vm0, v11, v12;
	v3 =	vmov v13  }
0x27c: {  	v8 =	vld [tilespmem:s5+$0x10];
	[tilespmem:s7+$0x40] =	vst v10  }
0x27d: {  	s7 =	sadd.s32 $0x50, s7;
	v10 =	vld [tilespmem:s4+$0x0];
	vm0 =	vgt.s32 v6, v9  }
0x27e: {  	_ =	sdelay $0x1  }
0x27f: {  	v6 =	vsel vm0, v6, v9;
	vm14 =	vgt.s32 v4, v7  }
0x280: {  	[tilespmem:s4+$0x10] =	vst v6;
	v4 =	vsel vm14, v4, v7;
	vm15 =	vgt.s32 v5, v8  }
0x281: {  	[tilespmem:s4+$0x20] =	vst v4;
	vm1 =	vgt.s32 v10, v3;
	v63 =	vsel vm15, v5, v8  }
0x282: {  	v3 =	vsel vm1, v10, v3;
	[tilespmem:s4+$0x30] =	vst v63  }
0x283: {  	s1 =	simm.s32 $0x0;
	[tilespmem:s4+$0x0] =	vst v3  }
.Ltmp19:
0x284: {  	s30 =	simm.s32 $0xCE20;
	s2 =	rddreg [dreg:$0xe];
	(pc) =	sbr.rel .LBB2_34-.Ltmp19, $4  }
0x285: {  	[hbm4b:s2+s1] =	stream.linear.scatter [tilespmem:s30], [sflag:$0x3], $0x7424, $0x38;
	[tilespmem:$0x1C260] =	vst v63  }
0x286: {  	_ =	swait.ge [sflag:s9], $0x7424  }
0x287: {  	[sflag:s9] =	ssyncset.done $0x0  }
0x288: {  	s2 =	rddreg [dreg:$0x1b];
	[sflag:s9] =	ssyncadd.s32 $0xFFFF8BDC  }
.LBB2_35:
0x289: {  	_ =	sfence.sel $0x180000  }
0x28a: {  	[bflag:$0x0] =	sbarrier.arrive $0xFFFF  }
0x28b: {  	_ =	strace $0x90000047  }
0x28c: {  	[bflag:$0x2] =	sbarrier.arrive $0xFFFF  }
0x28d: {  	s0 =	rddreg [dreg:$0x3]  }
0x28e: {  	s0 =	sadd.s32 @!p0 $0x100000, s0  }
0x28f: {  	[sflag:s0] =	ssyncadd.tile.s32 @!p0 $0x1;
	_ =	shalt  }
.Lfunc_end2:
_tile_overlayer_lowered:
.L_overlay_start_2:
0x290: {  	(tag) =	ssettag $0x2  }
0x291: {  	s0 =	rddreg [dreg:$0x0];
	s2 =	stileid.u32  }
0x292: {  	s1 =	rddreg [dreg:$0x1];
	p0 =	sne.s32 s2, $0x0  }
0x293: {  	s3 =	rddreg [dreg:$0x2];
	[bflag:$0x3] =	sbarrier.arrive $0xFFFF;
	s2 =	simm.s32 @!p0 $0x1C03  }
0x294: {  	[timem:s3], [sflag:s2] =	dma.local @!p0 [hbm:s0], s1  }
0x295: {  	s0 =	simm.s32 @!p0 $0x3  }
0x296: {  	_ =	swait.ge @!p0 [sflag:s0], s1  }
0x297: {  	s1 =	ssub.s32 @!p0 $0x0, s1;
	[sflag:s0] =	ssyncset.done @!p0 $0x0  }
0x298: {  	[sflag:s0] =	ssyncadd.s32 @!p0 s1  }
0x299: {  	[bflag:$0x3] =	sbarrier.arrive $0xFFFF  }
0x29a: {  	_ =	shalt  }

</sc_bundles>
